<compile_context>
chip_gen: v7x
topology: tpu7x:2x2x1
jax: 0.10.2.dev20260603
libtpu: 0.0.44.dev20260713+nightly
codegen_flags: <defaults>
</compile_context>

<pallas_src>
import functools

import jax
import jax.numpy as jnp
from jax import lax
from jax.experimental import pallas as pl
from jax.experimental.pallas import tpu as pltpu
from jax.experimental.pallas import tpu_sc as plsc

D = 128
CHUNK = 64
NBUF = 8


@functools.lru_cache(maxsize=None)
def _make_gather(total_rows: int):
    info = plsc.get_sparse_core_info()
    nw = info.num_cores * info.num_subcores
    assert total_rows % (nw * CHUNK * NBUF) == 0
    rows_per_w = total_rows // nw
    ngroups = rows_per_w // CHUNK
    nsteps = ngroups // NBUF
    mesh = plsc.VectorSubcoreMesh(core_axis_name="c", subcore_axis_name="s")

    @functools.partial(
        pl.kernel,
        mesh=mesh,
        out_type=jax.ShapeDtypeStruct((total_rows, D), jnp.float32),
        scratch_types=[
            pltpu.VMEM((rows_per_w,), jnp.int32),
            pltpu.VMEM((NBUF, CHUNK, D), jnp.float32),
        ]
        + [pltpu.SemaphoreType.DMA] * NBUF
        + [pltpu.SemaphoreType.DMA] * NBUF,
    )
    def gather_kernel(idx_hbm, table_hbm, out_hbm, idx_v, rows_v, *sems):
        gsem = sems[:NBUF]
        ssem = sems[NBUF:]
        wid = lax.axis_index("s") * info.num_cores + lax.axis_index("c")
        base = pl.multiple_of(wid * rows_per_w, 8)
        pltpu.sync_copy(idx_hbm.at[pl.ds(base, rows_per_w)], idx_v)

        def gather_start(g, b):
            off = pl.multiple_of(g * CHUNK, 8)
            pltpu.async_copy(
                table_hbm.at[idx_v.at[pl.ds(off, CHUNK)]], rows_v.at[b], gsem[b]
            )

        def gather_wait(g, b):
            off = pl.multiple_of(g * CHUNK, 8)
            pltpu.make_async_copy(
                table_hbm.at[idx_v.at[pl.ds(off, CHUNK)]], rows_v.at[b], gsem[b]
            ).wait()

        def store_start(g, b):
            off = pl.multiple_of(g * CHUNK, 8)
            pltpu.async_copy(
                rows_v.at[b], out_hbm.at[pl.ds(base + off, CHUNK)], ssem[b]
            )

        def store_wait(g, b):
            off = pl.multiple_of(g * CHUNK, 8)
            pltpu.make_async_copy(
                rows_v.at[b], out_hbm.at[pl.ds(base + off, CHUNK)], ssem[b]
            ).wait()

        for b in range(NBUF):
            gather_start(b, b)
        for b in range(NBUF):
            gather_wait(b, b)
            store_start(b, b)

        def body(p, carry):
            g0 = p * NBUF
            for b in range(NBUF):
                store_wait(g0 + b - NBUF, b)
                gather_start(g0 + b, b)
            for b in range(NBUF):
                gather_wait(g0 + b, b)
                store_start(g0 + b, b)
            return carry

        lax.fori_loop(1, nsteps, body, 0)

        gl = (nsteps - 1) * NBUF
        for b in range(NBUF):
            store_wait(gl + b, b)

    return gather_kernel


def kernel(a, b, embedding_table):
    batch, hist = a.shape
    idx = jnp.stack([a.T.astype(jnp.int32), b.T.astype(jnp.int32)])
    flat = _make_gather(2 * batch * hist)(idx.reshape(-1), embedding_table)
    return flat.reshape(2, hist, batch, D).transpose(0, 2, 1, 3)

# --- scband reference (transcript-rebuilt; emitter-appended) ---
"""Pipeline reference for scband-esim-22548578304705 (READ-ONLY COPY).

The authoritative reference and input builder live on the scoring server;
editing this copy changes nothing except your own understanding.
"""

import jax, jax.numpy as jnp
import numpy as np

NUM_EMBEDDINGS = 100000
EMBEDDING_DIM = 128
BATCH = 4096
HIST_LEN = 50

def setup_inputs(seed: int = 0) -> dict:
    key = jax.random.key(seed)
    k_a, k_b, k_w = jax.random.split(key, 3)
    a = jax.random.randint(k_a, (BATCH, HIST_LEN), 0, NUM_EMBEDDINGS, dtype=jnp.int64 if jax.config.jax_enable_x64 else jnp.int32)
    b = jax.random.randint(k_b, (BATCH, HIST_LEN), 0, NUM_EMBEDDINGS, dtype=jnp.int64 if jax.config.jax_enable_x64 else jnp.int32)
    embedding_table = jax.random.normal(k_w, (NUM_EMBEDDINGS, EMBEDDING_DIM), dtype=jnp.float32)
    return {"a": a, "b": b, "embedding_table": embedding_table}

def reference(a, b, embedding_table):
    # Faithful to the (partial) Esim.forward: the only realized computation is the
    # embedding lookup of both sequences in input_encoding. Downstream stages
    # (inference_modeling / composition / prediction) are unimplemented stubs in
    # the source, so the module's effective output is the pair of embeddings.
    a_embedding = jnp.take(embedding_table, a, axis=0)  # [B, L, D]
    b_embedding = jnp.take(embedding_table, b, axis=0)  # [B, L, D]
    return jnp.stack([a_embedding, b_embedding], axis=0)  # [2, B, L, D]

if __name__ == "__main__":
    import jax
    _d = setup_inputs()
    print(jax.jit(kernel)(*tuple(_d.values())))

</pallas_src>

<mosaic_0001>
#map = affine_map<(d0, d1) -> (0)>
#map1 = affine_map<(d0, d1) -> (0, 0)>
module attributes {stable_mosaic.version = 14 : i64} {
  func.func @gather_kernel(%arg0: i32, %arg1: i32, %arg2: memref<409600xi32, #tpu.memory_space<hbm>>, %arg3: memref<100000x128xf32, #tpu.memory_space<hbm>>, %arg4: memref<409600x128xf32, #tpu.memory_space<hbm>>, %arg5: memref<12800xi32, #tpu.memory_space<vmem>>, %arg6: memref<8x64x128xf32, #tpu.memory_space<vmem>>, %arg7: memref<!tpu.dma_semaphore, #tpu.memory_space<semaphore_mem>>, %arg8: memref<!tpu.dma_semaphore, #tpu.memory_space<semaphore_mem>>, %arg9: memref<!tpu.dma_semaphore, #tpu.memory_space<semaphore_mem>>, %arg10: memref<!tpu.dma_semaphore, #tpu.memory_space<semaphore_mem>>, %arg11: memref<!tpu.dma_semaphore, #tpu.memory_space<semaphore_mem>>, %arg12: memref<!tpu.dma_semaphore, #tpu.memory_space<semaphore_mem>>, %arg13: memref<!tpu.dma_semaphore, #tpu.memory_space<semaphore_mem>>, %arg14: memref<!tpu.dma_semaphore, #tpu.memory_space<semaphore_mem>>, %arg15: memref<!tpu.dma_semaphore, #tpu.memory_space<semaphore_mem>>, %arg16: memref<!tpu.dma_semaphore, #tpu.memory_space<semaphore_mem>>, %arg17: memref<!tpu.dma_semaphore, #tpu.memory_space<semaphore_mem>>, %arg18: memref<!tpu.dma_semaphore, #tpu.memory_space<semaphore_mem>>, %arg19: memref<!tpu.dma_semaphore, #tpu.memory_space<semaphore_mem>>, %arg20: memref<!tpu.dma_semaphore, #tpu.memory_space<semaphore_mem>>, %arg21: memref<!tpu.dma_semaphore, #tpu.memory_space<semaphore_mem>>, %arg22: memref<!tpu.dma_semaphore, #tpu.memory_space<semaphore_mem>>) attributes {dimension_semantics = [#tpu.dimension_semantics<core_parallel>, #tpu.dimension_semantics<subcore_parallel>], iteration_bounds = array<i64: 2, 16>, scalar_prefetch = 0 : i64, scratch_operands = 18 : i64, tpu.core_type = #tpu.core_type<sc_vector_subcore>, window_params = [{transform_indices = #map}, {transform_indices = #map1}, {transform_indices = #map1}]} {
    %mul3A = arith.constant 2 : i32
    %mul3A_0 = arith.muli %arg1, %mul3A : i32
    %add3A = arith.addi %mul3A_0, %arg0 : i32
    %mul3A_1 = arith.constant 12800 : i32
    %mul3A_2 = arith.muli %add3A, %mul3A_1 : i32
    %multiple_of3A = tpu.assume_multiple %mul3A_2, 8 : i32
    "tpu.region"() ({
      %run_scoped3A = tpu.sem_alloc : memref<!tpu.dma_semaphore, #tpu.memory_space<semaphore_mem>>
      %dma_start3A_438 = tpu.memref_slice %arg2[%multiple_of3A] : memref<409600xi32, #tpu.memory_space<hbm>> -> memref<12800xi32, #tpu.memory_space<hbm>>
      %dma_start3A_439 = tpu.memref_slice %arg2[%multiple_of3A] : memref<409600xi32, #tpu.memory_space<hbm>> -> memref<12800xi32, #tpu.memory_space<hbm>>
      tpu.enqueue_dma source(%dma_start3A_439 : memref<12800xi32, #tpu.memory_space<hbm>>) target(%arg5 : memref<12800xi32, #tpu.memory_space<vmem>>) target_semaphore(%run_scoped3A : memref<!tpu.dma_semaphore, #tpu.memory_space<semaphore_mem>>)
      %dma_wait3A_440 = tpu.memref_slice %arg2[%multiple_of3A] : memref<409600xi32, #tpu.memory_space<hbm>> -> memref<12800xi32, #tpu.memory_space<hbm>>
      %dma_wait3A_441 = tpu.memref_slice %arg2[%multiple_of3A] : memref<409600xi32, #tpu.memory_space<hbm>> -> memref<12800xi32, #tpu.memory_space<hbm>>
      tpu.wait_dma2 semaphore(%run_scoped3A : memref<!tpu.dma_semaphore, #tpu.memory_space<semaphore_mem>>) src(%dma_wait3A_441 : memref<12800xi32, #tpu.memory_space<hbm>>) dst(%arg5 : memref<12800xi32, #tpu.memory_space<vmem>>)
      tpu.yield
    }) : () -> ()
    %multiple_of3A_3 = arith.constant 0 : i32
    %multiple_of3A_4 = tpu.assume_multiple %multiple_of3A_3, 8 : i32
    %dma_start3A = arith.constant 0 : i32
    %dma_start3A_5 = arith.constant 0 : i32
    %dma_start3A_6 = arith.constant 0 : i32
    %dma_start3A_7 = tpu.memref_slice %arg6[%dma_start3A, %dma_start3A_5, %dma_start3A_6] : memref<8x64x128xf32, #tpu.memory_space<vmem>> -> memref<1x64x128xf32, #tpu.memory_space<vmem>>
    %dma_start3A_8 = tpu.memref_squeeze %dma_start3A_7 : memref<1x64x128xf32, #tpu.memory_space<vmem>> -> memref<64x128xf32, #tpu.memory_space<vmem>>
    %dma_start3A_9 = tpu.memref_slice %arg5[%multiple_of3A_4] : memref<12800xi32, #tpu.memory_space<vmem>> -> memref<64xi32, #tpu.memory_space<vmem>>
    %dma_start3A_10 = arith.constant 0 : i32
    %dma_start3A_11 = arith.constant 0 : i32
    %dma_start3A_12 = tpu.memref_slice %arg3[%dma_start3A_10, %dma_start3A_11] : memref<100000x128xf32, #tpu.memory_space<hbm>> -> memref<100000x128xf32, #tpu.memory_space<hbm>>
    tpu.enqueue_indirect_dma source(%dma_start3A_12 : memref<100000x128xf32, #tpu.memory_space<hbm>>) target(%dma_start3A_8 : memref<64x128xf32, #tpu.memory_space<vmem>>) offsets(%dma_start3A_9 : memref<64xi32, #tpu.memory_space<vmem>>) semaphore(%arg7 : memref<!tpu.dma_semaphore, #tpu.memory_space<semaphore_mem>>)
    %multiple_of3A_13 = arith.constant 64 : i32
    %multiple_of3A_14 = tpu.assume_multiple %multiple_of3A_13, 8 : i32
    %dma_start3A_15 = arith.constant 1 : i32
    %dma_start3A_16 = arith.constant 0 : i32
    %dma_start3A_17 = arith.constant 0 : i32
    %dma_start3A_18 = tpu.memref_slice %arg6[%dma_start3A_15, %dma_start3A_16, %dma_start3A_17] : memref<8x64x128xf32, #tpu.memory_space<vmem>> -> memref<1x64x128xf32, #tpu.memory_space<vmem>>
    %dma_start3A_19 = tpu.memref_squeeze %dma_start3A_18 : memref<1x64x128xf32, #tpu.memory_space<vmem>> -> memref<64x128xf32, #tpu.memory_space<vmem>>
    %dma_start3A_20 = tpu.memref_slice %arg5[%multiple_of3A_14] : memref<12800xi32, #tpu.memory_space<vmem>> -> memref<64xi32, #tpu.memory_space<vmem>>
    %dma_start3A_21 = arith.constant 0 : i32
    %dma_start3A_22 = arith.constant 0 : i32
    %dma_start3A_23 = tpu.memref_slice %arg3[%dma_start3A_21, %dma_start3A_22] : memref<100000x128xf32, #tpu.memory_space<hbm>> -> memref<100000x128xf32, #tpu.memory_space<hbm>>
    tpu.enqueue_indirect_dma source(%dma_start3A_23 : memref<100000x128xf32, #tpu.memory_space<hbm>>) target(%dma_start3A_19 : memref<64x128xf32, #tpu.memory_space<vmem>>) offsets(%dma_start3A_20 : memref<64xi32, #tpu.memory_space<vmem>>) semaphore(%arg8 : memref<!tpu.dma_semaphore, #tpu.memory_space<semaphore_mem>>)
    %multiple_of3A_24 = arith.constant 128 : i32
    %multiple_of3A_25 = tpu.assume_multiple %multiple_of3A_24, 8 : i32
    %dma_start3A_26 = arith.constant 2 : i32
    %dma_start3A_27 = arith.constant 0 : i32
    %dma_start3A_28 = arith.constant 0 : i32
    %dma_start3A_29 = tpu.memref_slice %arg6[%dma_start3A_26, %dma_start3A_27, %dma_start3A_28] : memref<8x64x128xf32, #tpu.memory_space<vmem>> -> memref<1x64x128xf32, #tpu.memory_space<vmem>>
    %dma_start3A_30 = tpu.memref_squeeze %dma_start3A_29 : memref<1x64x128xf32, #tpu.memory_space<vmem>> -> memref<64x128xf32, #tpu.memory_space<vmem>>
    %dma_start3A_31 = tpu.memref_slice %arg5[%multiple_of3A_25] : memref<12800xi32, #tpu.memory_space<vmem>> -> memref<64xi32, #tpu.memory_space<vmem>>
    %dma_start3A_32 = arith.constant 0 : i32
    %dma_start3A_33 = arith.constant 0 : i32
    %dma_start3A_34 = tpu.memref_slice %arg3[%dma_start3A_32, %dma_start3A_33] : memref<100000x128xf32, #tpu.memory_space<hbm>> -> memref<100000x128xf32, #tpu.memory_space<hbm>>
    tpu.enqueue_indirect_dma source(%dma_start3A_34 : memref<100000x128xf32, #tpu.memory_space<hbm>>) target(%dma_start3A_30 : memref<64x128xf32, #tpu.memory_space<vmem>>) offsets(%dma_start3A_31 : memref<64xi32, #tpu.memory_space<vmem>>) semaphore(%arg9 : memref<!tpu.dma_semaphore, #tpu.memory_space<semaphore_mem>>)
    %multiple_of3A_35 = arith.constant 192 : i32
    %multiple_of3A_36 = tpu.assume_multiple %multiple_of3A_35, 8 : i32
    %dma_start3A_37 = arith.constant 3 : i32
    %dma_start3A_38 = arith.constant 0 : i32
    %dma_start3A_39 = arith.constant 0 : i32
    %dma_start3A_40 = tpu.memref_slice %arg6[%dma_start3A_37, %dma_start3A_38, %dma_start3A_39] : memref<8x64x128xf32, #tpu.memory_space<vmem>> -> memref<1x64x128xf32, #tpu.memory_space<vmem>>
    %dma_start3A_41 = tpu.memref_squeeze %dma_start3A_40 : memref<1x64x128xf32, #tpu.memory_space<vmem>> -> memref<64x128xf32, #tpu.memory_space<vmem>>
    %dma_start3A_42 = tpu.memref_slice %arg5[%multiple_of3A_36] : memref<12800xi32, #tpu.memory_space<vmem>> -> memref<64xi32, #tpu.memory_space<vmem>>
    %dma_start3A_43 = arith.constant 0 : i32
    %dma_start3A_44 = arith.constant 0 : i32
    %dma_start3A_45 = tpu.memref_slice %arg3[%dma_start3A_43, %dma_start3A_44] : memref<100000x128xf32, #tpu.memory_space<hbm>> -> memref<100000x128xf32, #tpu.memory_space<hbm>>
    tpu.enqueue_indirect_dma source(%dma_start3A_45 : memref<100000x128xf32, #tpu.memory_space<hbm>>) target(%dma_start3A_41 : memref<64x128xf32, #tpu.memory_space<vmem>>) offsets(%dma_start3A_42 : memref<64xi32, #tpu.memory_space<vmem>>) semaphore(%arg10 : memref<!tpu.dma_semaphore, #tpu.memory_space<semaphore_mem>>)
    %multiple_of3A_46 = arith.constant 256 : i32
    %multiple_of3A_47 = tpu.assume_multiple %multiple_of3A_46, 8 : i32
    %dma_start3A_48 = arith.constant 4 : i32
    %dma_start3A_49 = arith.constant 0 : i32
    %dma_start3A_50 = arith.constant 0 : i32
    %dma_start3A_51 = tpu.memref_slice %arg6[%dma_start3A_48, %dma_start3A_49, %dma_start3A_50] : memref<8x64x128xf32, #tpu.memory_space<vmem>> -> memref<1x64x128xf32, #tpu.memory_space<vmem>>
    %dma_start3A_52 = tpu.memref_squeeze %dma_start3A_51 : memref<1x64x128xf32, #tpu.memory_space<vmem>> -> memref<64x128xf32, #tpu.memory_space<vmem>>
    %dma_start3A_53 = tpu.memref_slice %arg5[%multiple_of3A_47] : memref<12800xi32, #tpu.memory_space<vmem>> -> memref<64xi32, #tpu.memory_space<vmem>>
    %dma_start3A_54 = arith.constant 0 : i32
    %dma_start3A_55 = arith.constant 0 : i32
    %dma_start3A_56 = tpu.memref_slice %arg3[%dma_start3A_54, %dma_start3A_55] : memref<100000x128xf32, #tpu.memory_space<hbm>> -> memref<100000x128xf32, #tpu.memory_space<hbm>>
    tpu.enqueue_indirect_dma source(%dma_start3A_56 : memref<100000x128xf32, #tpu.memory_space<hbm>>) target(%dma_start3A_52 : memref<64x128xf32, #tpu.memory_space<vmem>>) offsets(%dma_start3A_53 : memref<64xi32, #tpu.memory_space<vmem>>) semaphore(%arg11 : memref<!tpu.dma_semaphore, #tpu.memory_space<semaphore_mem>>)
    %multiple_of3A_57 = arith.constant 320 : i32
    %multiple_of3A_58 = tpu.assume_multiple %multiple_of3A_57, 8 : i32
    %dma_start3A_59 = arith.constant 5 : i32
    %dma_start3A_60 = arith.constant 0 : i32
    %dma_start3A_61 = arith.constant 0 : i32
    %dma_start3A_62 = tpu.memref_slice %arg6[%dma_start3A_59, %dma_start3A_60, %dma_start3A_61] : memref<8x64x128xf32, #tpu.memory_space<vmem>> -> memref<1x64x128xf32, #tpu.memory_space<vmem>>
    %dma_start3A_63 = tpu.memref_squeeze %dma_start3A_62 : memref<1x64x128xf32, #tpu.memory_space<vmem>> -> memref<64x128xf32, #tpu.memory_space<vmem>>
    %dma_start3A_64 = tpu.memref_slice %arg5[%multiple_of3A_58] : memref<12800xi32, #tpu.memory_space<vmem>> -> memref<64xi32, #tpu.memory_space<vmem>>
    %dma_start3A_65 = arith.constant 0 : i32
    %dma_start3A_66 = arith.constant 0 : i32
    %dma_start3A_67 = tpu.memref_slice %arg3[%dma_start3A_65, %dma_start3A_66] : memref<100000x128xf32, #tpu.memory_space<hbm>> -> memref<100000x128xf32, #tpu.memory_space<hbm>>
    tpu.enqueue_indirect_dma source(%dma_start3A_67 : memref<100000x128xf32, #tpu.memory_space<hbm>>) target(%dma_start3A_63 : memref<64x128xf32, #tpu.memory_space<vmem>>) offsets(%dma_start3A_64 : memref<64xi32, #tpu.memory_space<vmem>>) semaphore(%arg12 : memref<!tpu.dma_semaphore, #tpu.memory_space<semaphore_mem>>)
    %multiple_of3A_68 = arith.constant 384 : i32
    %multiple_of3A_69 = tpu.assume_multiple %multiple_of3A_68, 8 : i32
    %dma_start3A_70 = arith.constant 6 : i32
    %dma_start3A_71 = arith.constant 0 : i32
    %dma_start3A_72 = arith.constant 0 : i32
    %dma_start3A_73 = tpu.memref_slice %arg6[%dma_start3A_70, %dma_start3A_71, %dma_start3A_72] : memref<8x64x128xf32, #tpu.memory_space<vmem>> -> memref<1x64x128xf32, #tpu.memory_space<vmem>>
    %dma_start3A_74 = tpu.memref_squeeze %dma_start3A_73 : memref<1x64x128xf32, #tpu.memory_space<vmem>> -> memref<64x128xf32, #tpu.memory_space<vmem>>
    %dma_start3A_75 = tpu.memref_slice %arg5[%multiple_of3A_69] : memref<12800xi32, #tpu.memory_space<vmem>> -> memref<64xi32, #tpu.memory_space<vmem>>
    %dma_start3A_76 = arith.constant 0 : i32
    %dma_start3A_77 = arith.constant 0 : i32
    %dma_start3A_78 = tpu.memref_slice %arg3[%dma_start3A_76, %dma_start3A_77] : memref<100000x128xf32, #tpu.memory_space<hbm>> -> memref<100000x128xf32, #tpu.memory_space<hbm>>
    tpu.enqueue_indirect_dma source(%dma_start3A_78 : memref<100000x128xf32, #tpu.memory_space<hbm>>) target(%dma_start3A_74 : memref<64x128xf32, #tpu.memory_space<vmem>>) offsets(%dma_start3A_75 : memref<64xi32, #tpu.memory_space<vmem>>) semaphore(%arg13 : memref<!tpu.dma_semaphore, #tpu.memory_space<semaphore_mem>>)
    %multiple_of3A_79 = arith.constant 448 : i32
    %multiple_of3A_80 = tpu.assume_multiple %multiple_of3A_79, 8 : i32
    %dma_start3A_81 = arith.constant 7 : i32
    %dma_start3A_82 = arith.constant 0 : i32
    %dma_start3A_83 = arith.constant 0 : i32
    %dma_start3A_84 = tpu.memref_slice %arg6[%dma_start3A_81, %dma_start3A_82, %dma_start3A_83] : memref<8x64x128xf32, #tpu.memory_space<vmem>> -> memref<1x64x128xf32, #tpu.memory_space<vmem>>
    %dma_start3A_85 = tpu.memref_squeeze %dma_start3A_84 : memref<1x64x128xf32, #tpu.memory_space<vmem>> -> memref<64x128xf32, #tpu.memory_space<vmem>>
    %dma_start3A_86 = tpu.memref_slice %arg5[%multiple_of3A_80] : memref<12800xi32, #tpu.memory_space<vmem>> -> memref<64xi32, #tpu.memory_space<vmem>>
    %dma_start3A_87 = arith.constant 0 : i32
    %dma_start3A_88 = arith.constant 0 : i32
    %dma_start3A_89 = tpu.memref_slice %arg3[%dma_start3A_87, %dma_start3A_88] : memref<100000x128xf32, #tpu.memory_space<hbm>> -> memref<100000x128xf32, #tpu.memory_space<hbm>>
    tpu.enqueue_indirect_dma source(%dma_start3A_89 : memref<100000x128xf32, #tpu.memory_space<hbm>>) target(%dma_start3A_85 : memref<64x128xf32, #tpu.memory_space<vmem>>) offsets(%dma_start3A_86 : memref<64xi32, #tpu.memory_space<vmem>>) semaphore(%arg14 : memref<!tpu.dma_semaphore, #tpu.memory_space<semaphore_mem>>)
    %multiple_of3A_90 = arith.constant 0 : i32
    %multiple_of3A_91 = tpu.assume_multiple %multiple_of3A_90, 8 : i32
    %dma_wait3A = arith.constant 0 : i32
    %dma_wait3A_92 = arith.constant 0 : i32
    %dma_wait3A_93 = arith.constant 0 : i32
    %dma_wait3A_94 = tpu.memref_slice %arg6[%dma_wait3A, %dma_wait3A_92, %dma_wait3A_93] : memref<8x64x128xf32, #tpu.memory_space<vmem>> -> memref<1x64x128xf32, #tpu.memory_space<vmem>>
    %dma_wait3A_95 = tpu.memref_squeeze %dma_wait3A_94 : memref<1x64x128xf32, #tpu.memory_space<vmem>> -> memref<64x128xf32, #tpu.memory_space<vmem>>
    %dma_wait3A_96 = tpu.memref_slice %arg5[%multiple_of3A_91] : memref<12800xi32, #tpu.memory_space<vmem>> -> memref<64xi32, #tpu.memory_space<vmem>>
    %dma_wait3A_97 = arith.constant 0 : i32
    %dma_wait3A_98 = arith.constant 0 : i32
    %dma_wait3A_99 = tpu.memref_slice %arg3[%dma_wait3A_97, %dma_wait3A_98] : memref<100000x128xf32, #tpu.memory_space<hbm>> -> memref<100000x128xf32, #tpu.memory_space<hbm>>
    tpu.wait_indirect_dma semaphore(%arg7 : memref<!tpu.dma_semaphore, #tpu.memory_space<semaphore_mem>>) src(%dma_wait3A_99 : memref<100000x128xf32, #tpu.memory_space<hbm>>) dst(%dma_wait3A_95 : memref<64x128xf32, #tpu.memory_space<vmem>>)
    %multiple_of3A_100 = arith.constant 0 : i32
    %multiple_of3A_101 = tpu.assume_multiple %multiple_of3A_100, 8 : i32
    %add3A_102 = arith.addi %multiple_of3A, %multiple_of3A_101 : i32
    %dma_start3A_103 = arith.constant 0 : i32
    %dma_start3A_104 = arith.constant 0 : i32
    %dma_start3A_105 = arith.constant 0 : i32
    %dma_start3A_106 = tpu.memref_slice %arg6[%dma_start3A_103, %dma_start3A_104, %dma_start3A_105] : memref<8x64x128xf32, #tpu.memory_space<vmem>> -> memref<1x64x128xf32, #tpu.memory_space<vmem>>
    %dma_start3A_107 = tpu.memref_squeeze %dma_start3A_106 : memref<1x64x128xf32, #tpu.memory_space<vmem>> -> memref<64x128xf32, #tpu.memory_space<vmem>>
    %dma_start3A_108 = arith.constant 0 : i32
    %dma_start3A_109 = tpu.memref_slice %arg4[%add3A_102, %dma_start3A_108] : memref<409600x128xf32, #tpu.memory_space<hbm>> -> memref<64x128xf32, #tpu.memory_space<hbm>>
    %dma_start3A_110 = arith.constant 0 : i32
    %dma_start3A_111 = tpu.memref_slice %arg4[%add3A_102, %dma_start3A_110] : memref<409600x128xf32, #tpu.memory_space<hbm>> -> memref<64x128xf32, #tpu.memory_space<hbm>>
    %dma_start3A_112 = arith.constant 0 : i32
    %dma_start3A_113 = arith.constant 0 : i32
    %dma_start3A_114 = tpu.memref_slice %arg6[%dma_start3A_103, %dma_start3A_112, %dma_start3A_113] : memref<8x64x128xf32, #tpu.memory_space<vmem>> -> memref<1x64x128xf32, #tpu.memory_space<vmem>>
    %dma_start3A_115 = tpu.memref_squeeze %dma_start3A_114 : memref<1x64x128xf32, #tpu.memory_space<vmem>> -> memref<64x128xf32, #tpu.memory_space<vmem>>
    tpu.enqueue_dma source(%dma_start3A_115 : memref<64x128xf32, #tpu.memory_space<vmem>>) target(%dma_start3A_111 : memref<64x128xf32, #tpu.memory_space<hbm>>) target_semaphore(%arg15 : memref<!tpu.dma_semaphore, #tpu.memory_space<semaphore_mem>>)
    %multiple_of3A_116 = arith.constant 64 : i32
    %multiple_of3A_117 = tpu.assume_multiple %multiple_of3A_116, 8 : i32
    %dma_wait3A_118 = arith.constant 1 : i32
    %dma_wait3A_119 = arith.constant 0 : i32
    %dma_wait3A_120 = arith.constant 0 : i32
    %dma_wait3A_121 = tpu.memref_slice %arg6[%dma_wait3A_118, %dma_wait3A_119, %dma_wait3A_120] : memref<8x64x128xf32, #tpu.memory_space<vmem>> -> memref<1x64x128xf32, #tpu.memory_space<vmem>>
    %dma_wait3A_122 = tpu.memref_squeeze %dma_wait3A_121 : memref<1x64x128xf32, #tpu.memory_space<vmem>> -> memref<64x128xf32, #tpu.memory_space<vmem>>
    %dma_wait3A_123 = tpu.memref_slice %arg5[%multiple_of3A_117] : memref<12800xi32, #tpu.memory_space<vmem>> -> memref<64xi32, #tpu.memory_space<vmem>>
    %dma_wait3A_124 = arith.constant 0 : i32
    %dma_wait3A_125 = arith.constant 0 : i32
    %dma_wait3A_126 = tpu.memref_slice %arg3[%dma_wait3A_124, %dma_wait3A_125] : memref<100000x128xf32, #tpu.memory_space<hbm>> -> memref<100000x128xf32, #tpu.memory_space<hbm>>
    tpu.wait_indirect_dma semaphore(%arg8 : memref<!tpu.dma_semaphore, #tpu.memory_space<semaphore_mem>>) src(%dma_wait3A_126 : memref<100000x128xf32, #tpu.memory_space<hbm>>) dst(%dma_wait3A_122 : memref<64x128xf32, #tpu.memory_space<vmem>>)
    %multiple_of3A_127 = arith.constant 64 : i32
    %multiple_of3A_128 = tpu.assume_multiple %multiple_of3A_127, 8 : i32
    %add3A_129 = arith.addi %multiple_of3A, %multiple_of3A_128 : i32
    %dma_start3A_130 = arith.constant 1 : i32
    %dma_start3A_131 = arith.constant 0 : i32
    %dma_start3A_132 = arith.constant 0 : i32
    %dma_start3A_133 = tpu.memref_slice %arg6[%dma_start3A_130, %dma_start3A_131, %dma_start3A_132] : memref<8x64x128xf32, #tpu.memory_space<vmem>> -> memref<1x64x128xf32, #tpu.memory_space<vmem>>
    %dma_start3A_134 = tpu.memref_squeeze %dma_start3A_133 : memref<1x64x128xf32, #tpu.memory_space<vmem>> -> memref<64x128xf32, #tpu.memory_space<vmem>>
    %dma_start3A_135 = arith.constant 0 : i32
    %dma_start3A_136 = tpu.memref_slice %arg4[%add3A_129, %dma_start3A_135] : memref<409600x128xf32, #tpu.memory_space<hbm>> -> memref<64x128xf32, #tpu.memory_space<hbm>>
    %dma_start3A_137 = arith.constant 0 : i32
    %dma_start3A_138 = tpu.memref_slice %arg4[%add3A_129, %dma_start3A_137] : memref<409600x128xf32, #tpu.memory_space<hbm>> -> memref<64x128xf32, #tpu.memory_space<hbm>>
    %dma_start3A_139 = arith.constant 0 : i32
    %dma_start3A_140 = arith.constant 0 : i32
    %dma_start3A_141 = tpu.memref_slice %arg6[%dma_start3A_130, %dma_start3A_139, %dma_start3A_140] : memref<8x64x128xf32, #tpu.memory_space<vmem>> -> memref<1x64x128xf32, #tpu.memory_space<vmem>>
    %dma_start3A_142 = tpu.memref_squeeze %dma_start3A_141 : memref<1x64x128xf32, #tpu.memory_space<vmem>> -> memref<64x128xf32, #tpu.memory_space<vmem>>
    tpu.enqueue_dma source(%dma_start3A_142 : memref<64x128xf32, #tpu.memory_space<vmem>>) target(%dma_start3A_138 : memref<64x128xf32, #tpu.memory_space<hbm>>) target_semaphore(%arg16 : memref<!tpu.dma_semaphore, #tpu.memory_space<semaphore_mem>>)
    %multiple_of3A_143 = arith.constant 128 : i32
    %multiple_of3A_144 = tpu.assume_multiple %multiple_of3A_143, 8 : i32
    %dma_wait3A_145 = arith.constant 2 : i32
    %dma_wait3A_146 = arith.constant 0 : i32
    %dma_wait3A_147 = arith.constant 0 : i32
    %dma_wait3A_148 = tpu.memref_slice %arg6[%dma_wait3A_145, %dma_wait3A_146, %dma_wait3A_147] : memref<8x64x128xf32, #tpu.memory_space<vmem>> -> memref<1x64x128xf32, #tpu.memory_space<vmem>>
    %dma_wait3A_149 = tpu.memref_squeeze %dma_wait3A_148 : memref<1x64x128xf32, #tpu.memory_space<vmem>> -> memref<64x128xf32, #tpu.memory_space<vmem>>
    %dma_wait3A_150 = tpu.memref_slice %arg5[%multiple_of3A_144] : memref<12800xi32, #tpu.memory_space<vmem>> -> memref<64xi32, #tpu.memory_space<vmem>>
    %dma_wait3A_151 = arith.constant 0 : i32
    %dma_wait3A_152 = arith.constant 0 : i32
    %dma_wait3A_153 = tpu.memref_slice %arg3[%dma_wait3A_151, %dma_wait3A_152] : memref<100000x128xf32, #tpu.memory_space<hbm>> -> memref<100000x128xf32, #tpu.memory_space<hbm>>
    tpu.wait_indirect_dma semaphore(%arg9 : memref<!tpu.dma_semaphore, #tpu.memory_space<semaphore_mem>>) src(%dma_wait3A_153 : memref<100000x128xf32, #tpu.memory_space<hbm>>) dst(%dma_wait3A_149 : memref<64x128xf32, #tpu.memory_space<vmem>>)
    %multiple_of3A_154 = arith.constant 128 : i32
    %multiple_of3A_155 = tpu.assume_multiple %multiple_of3A_154, 8 : i32
    %add3A_156 = arith.addi %multiple_of3A, %multiple_of3A_155 : i32
    %dma_start3A_157 = arith.constant 2 : i32
    %dma_start3A_158 = arith.constant 0 : i32
    %dma_start3A_159 = arith.constant 0 : i32
    %dma_start3A_160 = tpu.memref_slice %arg6[%dma_start3A_157, %dma_start3A_158, %dma_start3A_159] : memref<8x64x128xf32, #tpu.memory_space<vmem>> -> memref<1x64x128xf32, #tpu.memory_space<vmem>>
    %dma_start3A_161 = tpu.memref_squeeze %dma_start3A_160 : memref<1x64x128xf32, #tpu.memory_space<vmem>> -> memref<64x128xf32, #tpu.memory_space<vmem>>
    %dma_start3A_162 = arith.constant 0 : i32
    %dma_start3A_163 = tpu.memref_slice %arg4[%add3A_156, %dma_start3A_162] : memref<409600x128xf32, #tpu.memory_space<hbm>> -> memref<64x128xf32, #tpu.memory_space<hbm>>
    %dma_start3A_164 = arith.constant 0 : i32
    %dma_start3A_165 = tpu.memref_slice %arg4[%add3A_156, %dma_start3A_164] : memref<409600x128xf32, #tpu.memory_space<hbm>> -> memref<64x128xf32, #tpu.memory_space<hbm>>
    %dma_start3A_166 = arith.constant 0 : i32
    %dma_start3A_167 = arith.constant 0 : i32
    %dma_start3A_168 = tpu.memref_slice %arg6[%dma_start3A_157, %dma_start3A_166, %dma_start3A_167] : memref<8x64x128xf32, #tpu.memory_space<vmem>> -> memref<1x64x128xf32, #tpu.memory_space<vmem>>
    %dma_start3A_169 = tpu.memref_squeeze %dma_start3A_168 : memref<1x64x128xf32, #tpu.memory_space<vmem>> -> memref<64x128xf32, #tpu.memory_space<vmem>>
    tpu.enqueue_dma source(%dma_start3A_169 : memref<64x128xf32, #tpu.memory_space<vmem>>) target(%dma_start3A_165 : memref<64x128xf32, #tpu.memory_space<hbm>>) target_semaphore(%arg17 : memref<!tpu.dma_semaphore, #tpu.memory_space<semaphore_mem>>)
    %multiple_of3A_170 = arith.constant 192 : i32
    %multiple_of3A_171 = tpu.assume_multiple %multiple_of3A_170, 8 : i32
    %dma_wait3A_172 = arith.constant 3 : i32
    %dma_wait3A_173 = arith.constant 0 : i32
    %dma_wait3A_174 = arith.constant 0 : i32
    %dma_wait3A_175 = tpu.memref_slice %arg6[%dma_wait3A_172, %dma_wait3A_173, %dma_wait3A_174] : memref<8x64x128xf32, #tpu.memory_space<vmem>> -> memref<1x64x128xf32, #tpu.memory_space<vmem>>
    %dma_wait3A_176 = tpu.memref_squeeze %dma_wait3A_175 : memref<1x64x128xf32, #tpu.memory_space<vmem>> -> memref<64x128xf32, #tpu.memory_space<vmem>>
    %dma_wait3A_177 = tpu.memref_slice %arg5[%multiple_of3A_171] : memref<12800xi32, #tpu.memory_space<vmem>> -> memref<64xi32, #tpu.memory_space<vmem>>
    %dma_wait3A_178 = arith.constant 0 : i32
    %dma_wait3A_179 = arith.constant 0 : i32
    %dma_wait3A_180 = tpu.memref_slice %arg3[%dma_wait3A_178, %dma_wait3A_179] : memref<100000x128xf32, #tpu.memory_space<hbm>> -> memref<100000x128xf32, #tpu.memory_space<hbm>>
    tpu.wait_indirect_dma semaphore(%arg10 : memref<!tpu.dma_semaphore, #tpu.memory_space<semaphore_mem>>) src(%dma_wait3A_180 : memref<100000x128xf32, #tpu.memory_space<hbm>>) dst(%dma_wait3A_176 : memref<64x128xf32, #tpu.memory_space<vmem>>)
    %multiple_of3A_181 = arith.constant 192 : i32
    %multiple_of3A_182 = tpu.assume_multiple %multiple_of3A_181, 8 : i32
    %add3A_183 = arith.addi %multiple_of3A, %multiple_of3A_182 : i32
    %dma_start3A_184 = arith.constant 3 : i32
    %dma_start3A_185 = arith.constant 0 : i32
    %dma_start3A_186 = arith.constant 0 : i32
    %dma_start3A_187 = tpu.memref_slice %arg6[%dma_start3A_184, %dma_start3A_185, %dma_start3A_186] : memref<8x64x128xf32, #tpu.memory_space<vmem>> -> memref<1x64x128xf32, #tpu.memory_space<vmem>>
    %dma_start3A_188 = tpu.memref_squeeze %dma_start3A_187 : memref<1x64x128xf32, #tpu.memory_space<vmem>> -> memref<64x128xf32, #tpu.memory_space<vmem>>
    %dma_start3A_189 = arith.constant 0 : i32
    %dma_start3A_190 = tpu.memref_slice %arg4[%add3A_183, %dma_start3A_189] : memref<409600x128xf32, #tpu.memory_space<hbm>> -> memref<64x128xf32, #tpu.memory_space<hbm>>
    %dma_start3A_191 = arith.constant 0 : i32
    %dma_start3A_192 = tpu.memref_slice %arg4[%add3A_183, %dma_start3A_191] : memref<409600x128xf32, #tpu.memory_space<hbm>> -> memref<64x128xf32, #tpu.memory_space<hbm>>
    %dma_start3A_193 = arith.constant 0 : i32
    %dma_start3A_194 = arith.constant 0 : i32
    %dma_start3A_195 = tpu.memref_slice %arg6[%dma_start3A_184, %dma_start3A_193, %dma_start3A_194] : memref<8x64x128xf32, #tpu.memory_space<vmem>> -> memref<1x64x128xf32, #tpu.memory_space<vmem>>
    %dma_start3A_196 = tpu.memref_squeeze %dma_start3A_195 : memref<1x64x128xf32, #tpu.memory_space<vmem>> -> memref<64x128xf32, #tpu.memory_space<vmem>>
    tpu.enqueue_dma source(%dma_start3A_196 : memref<64x128xf32, #tpu.memory_space<vmem>>) target(%dma_start3A_192 : memref<64x128xf32, #tpu.memory_space<hbm>>) target_semaphore(%arg18 : memref<!tpu.dma_semaphore, #tpu.memory_space<semaphore_mem>>)
    %multiple_of3A_197 = arith.constant 256 : i32
    %multiple_of3A_198 = tpu.assume_multiple %multiple_of3A_197, 8 : i32
    %dma_wait3A_199 = arith.constant 4 : i32
    %dma_wait3A_200 = arith.constant 0 : i32
    %dma_wait3A_201 = arith.constant 0 : i32
    %dma_wait3A_202 = tpu.memref_slice %arg6[%dma_wait3A_199, %dma_wait3A_200, %dma_wait3A_201] : memref<8x64x128xf32, #tpu.memory_space<vmem>> -> memref<1x64x128xf32, #tpu.memory_space<vmem>>
    %dma_wait3A_203 = tpu.memref_squeeze %dma_wait3A_202 : memref<1x64x128xf32, #tpu.memory_space<vmem>> -> memref<64x128xf32, #tpu.memory_space<vmem>>
    %dma_wait3A_204 = tpu.memref_slice %arg5[%multiple_of3A_198] : memref<12800xi32, #tpu.memory_space<vmem>> -> memref<64xi32, #tpu.memory_space<vmem>>
    %dma_wait3A_205 = arith.constant 0 : i32
    %dma_wait3A_206 = arith.constant 0 : i32
    %dma_wait3A_207 = tpu.memref_slice %arg3[%dma_wait3A_205, %dma_wait3A_206] : memref<100000x128xf32, #tpu.memory_space<hbm>> -> memref<100000x128xf32, #tpu.memory_space<hbm>>
    tpu.wait_indirect_dma semaphore(%arg11 : memref<!tpu.dma_semaphore, #tpu.memory_space<semaphore_mem>>) src(%dma_wait3A_207 : memref<100000x128xf32, #tpu.memory_space<hbm>>) dst(%dma_wait3A_203 : memref<64x128xf32, #tpu.memory_space<vmem>>)
    %multiple_of3A_208 = arith.constant 256 : i32
    %multiple_of3A_209 = tpu.assume_multiple %multiple_of3A_208, 8 : i32
    %add3A_210 = arith.addi %multiple_of3A, %multiple_of3A_209 : i32
    %dma_start3A_211 = arith.constant 4 : i32
    %dma_start3A_212 = arith.constant 0 : i32
    %dma_start3A_213 = arith.constant 0 : i32
    %dma_start3A_214 = tpu.memref_slice %arg6[%dma_start3A_211, %dma_start3A_212, %dma_start3A_213] : memref<8x64x128xf32, #tpu.memory_space<vmem>> -> memref<1x64x128xf32, #tpu.memory_space<vmem>>
    %dma_start3A_215 = tpu.memref_squeeze %dma_start3A_214 : memref<1x64x128xf32, #tpu.memory_space<vmem>> -> memref<64x128xf32, #tpu.memory_space<vmem>>
    %dma_start3A_216 = arith.constant 0 : i32
    %dma_start3A_217 = tpu.memref_slice %arg4[%add3A_210, %dma_start3A_216] : memref<409600x128xf32, #tpu.memory_space<hbm>> -> memref<64x128xf32, #tpu.memory_space<hbm>>
    %dma_start3A_218 = arith.constant 0 : i32
    %dma_start3A_219 = tpu.memref_slice %arg4[%add3A_210, %dma_start3A_218] : memref<409600x128xf32, #tpu.memory_space<hbm>> -> memref<64x128xf32, #tpu.memory_space<hbm>>
    %dma_start3A_220 = arith.constant 0 : i32
    %dma_start3A_221 = arith.constant 0 : i32
    %dma_start3A_222 = tpu.memref_slice %arg6[%dma_start3A_211, %dma_start3A_220, %dma_start3A_221] : memref<8x64x128xf32, #tpu.memory_space<vmem>> -> memref<1x64x128xf32, #tpu.memory_space<vmem>>
    %dma_start3A_223 = tpu.memref_squeeze %dma_start3A_222 : memref<1x64x128xf32, #tpu.memory_space<vmem>> -> memref<64x128xf32, #tpu.memory_space<vmem>>
    tpu.enqueue_dma source(%dma_start3A_223 : memref<64x128xf32, #tpu.memory_space<vmem>>) target(%dma_start3A_219 : memref<64x128xf32, #tpu.memory_space<hbm>>) target_semaphore(%arg19 : memref<!tpu.dma_semaphore, #tpu.memory_space<semaphore_mem>>)
    %multiple_of3A_224 = arith.constant 320 : i32
    %multiple_of3A_225 = tpu.assume_multiple %multiple_of3A_224, 8 : i32
    %dma_wait3A_226 = arith.constant 5 : i32
    %dma_wait3A_227 = arith.constant 0 : i32
    %dma_wait3A_228 = arith.constant 0 : i32
    %dma_wait3A_229 = tpu.memref_slice %arg6[%dma_wait3A_226, %dma_wait3A_227, %dma_wait3A_228] : memref<8x64x128xf32, #tpu.memory_space<vmem>> -> memref<1x64x128xf32, #tpu.memory_space<vmem>>
    %dma_wait3A_230 = tpu.memref_squeeze %dma_wait3A_229 : memref<1x64x128xf32, #tpu.memory_space<vmem>> -> memref<64x128xf32, #tpu.memory_space<vmem>>
    %dma_wait3A_231 = tpu.memref_slice %arg5[%multiple_of3A_225] : memref<12800xi32, #tpu.memory_space<vmem>> -> memref<64xi32, #tpu.memory_space<vmem>>
    %dma_wait3A_232 = arith.constant 0 : i32
    %dma_wait3A_233 = arith.constant 0 : i32
    %dma_wait3A_234 = tpu.memref_slice %arg3[%dma_wait3A_232, %dma_wait3A_233] : memref<100000x128xf32, #tpu.memory_space<hbm>> -> memref<100000x128xf32, #tpu.memory_space<hbm>>
    tpu.wait_indirect_dma semaphore(%arg12 : memref<!tpu.dma_semaphore, #tpu.memory_space<semaphore_mem>>) src(%dma_wait3A_234 : memref<100000x128xf32, #tpu.memory_space<hbm>>) dst(%dma_wait3A_230 : memref<64x128xf32, #tpu.memory_space<vmem>>)
    %multiple_of3A_235 = arith.constant 320 : i32
    %multiple_of3A_236 = tpu.assume_multiple %multiple_of3A_235, 8 : i32
    %add3A_237 = arith.addi %multiple_of3A, %multiple_of3A_236 : i32
    %dma_start3A_238 = arith.constant 5 : i32
    %dma_start3A_239 = arith.constant 0 : i32
    %dma_start3A_240 = arith.constant 0 : i32
    %dma_start3A_241 = tpu.memref_slice %arg6[%dma_start3A_238, %dma_start3A_239, %dma_start3A_240] : memref<8x64x128xf32, #tpu.memory_space<vmem>> -> memref<1x64x128xf32, #tpu.memory_space<vmem>>
    %dma_start3A_242 = tpu.memref_squeeze %dma_start3A_241 : memref<1x64x128xf32, #tpu.memory_space<vmem>> -> memref<64x128xf32, #tpu.memory_space<vmem>>
    %dma_start3A_243 = arith.constant 0 : i32
    %dma_start3A_244 = tpu.memref_slice %arg4[%add3A_237, %dma_start3A_243] : memref<409600x128xf32, #tpu.memory_space<hbm>> -> memref<64x128xf32, #tpu.memory_space<hbm>>
    %dma_start3A_245 = arith.constant 0 : i32
    %dma_start3A_246 = tpu.memref_slice %arg4[%add3A_237, %dma_start3A_245] : memref<409600x128xf32, #tpu.memory_space<hbm>> -> memref<64x128xf32, #tpu.memory_space<hbm>>
    %dma_start3A_247 = arith.constant 0 : i32
    %dma_start3A_248 = arith.constant 0 : i32
    %dma_start3A_249 = tpu.memref_slice %arg6[%dma_start3A_238, %dma_start3A_247, %dma_start3A_248] : memref<8x64x128xf32, #tpu.memory_space<vmem>> -> memref<1x64x128xf32, #tpu.memory_space<vmem>>
    %dma_start3A_250 = tpu.memref_squeeze %dma_start3A_249 : memref<1x64x128xf32, #tpu.memory_space<vmem>> -> memref<64x128xf32, #tpu.memory_space<vmem>>
    tpu.enqueue_dma source(%dma_start3A_250 : memref<64x128xf32, #tpu.memory_space<vmem>>) target(%dma_start3A_246 : memref<64x128xf32, #tpu.memory_space<hbm>>) target_semaphore(%arg20 : memref<!tpu.dma_semaphore, #tpu.memory_space<semaphore_mem>>)
    %multiple_of3A_251 = arith.constant 384 : i32
    %multiple_of3A_252 = tpu.assume_multiple %multiple_of3A_251, 8 : i32
    %dma_wait3A_253 = arith.constant 6 : i32
    %dma_wait3A_254 = arith.constant 0 : i32
    %dma_wait3A_255 = arith.constant 0 : i32
    %dma_wait3A_256 = tpu.memref_slice %arg6[%dma_wait3A_253, %dma_wait3A_254, %dma_wait3A_255] : memref<8x64x128xf32, #tpu.memory_space<vmem>> -> memref<1x64x128xf32, #tpu.memory_space<vmem>>
    %dma_wait3A_257 = tpu.memref_squeeze %dma_wait3A_256 : memref<1x64x128xf32, #tpu.memory_space<vmem>> -> memref<64x128xf32, #tpu.memory_space<vmem>>
    %dma_wait3A_258 = tpu.memref_slice %arg5[%multiple_of3A_252] : memref<12800xi32, #tpu.memory_space<vmem>> -> memref<64xi32, #tpu.memory_space<vmem>>
    %dma_wait3A_259 = arith.constant 0 : i32
    %dma_wait3A_260 = arith.constant 0 : i32
    %dma_wait3A_261 = tpu.memref_slice %arg3[%dma_wait3A_259, %dma_wait3A_260] : memref<100000x128xf32, #tpu.memory_space<hbm>> -> memref<100000x128xf32, #tpu.memory_space<hbm>>
    tpu.wait_indirect_dma semaphore(%arg13 : memref<!tpu.dma_semaphore, #tpu.memory_space<semaphore_mem>>) src(%dma_wait3A_261 : memref<100000x128xf32, #tpu.memory_space<hbm>>) dst(%dma_wait3A_257 : memref<64x128xf32, #tpu.memory_space<vmem>>)
    %multiple_of3A_262 = arith.constant 384 : i32
    %multiple_of3A_263 = tpu.assume_multiple %multiple_of3A_262, 8 : i32
    %add3A_264 = arith.addi %multiple_of3A, %multiple_of3A_263 : i32
    %dma_start3A_265 = arith.constant 6 : i32
    %dma_start3A_266 = arith.constant 0 : i32
    %dma_start3A_267 = arith.constant 0 : i32
    %dma_start3A_268 = tpu.memref_slice %arg6[%dma_start3A_265, %dma_start3A_266, %dma_start3A_267] : memref<8x64x128xf32, #tpu.memory_space<vmem>> -> memref<1x64x128xf32, #tpu.memory_space<vmem>>
    %dma_start3A_269 = tpu.memref_squeeze %dma_start3A_268 : memref<1x64x128xf32, #tpu.memory_space<vmem>> -> memref<64x128xf32, #tpu.memory_space<vmem>>
    %dma_start3A_270 = arith.constant 0 : i32
    %dma_start3A_271 = tpu.memref_slice %arg4[%add3A_264, %dma_start3A_270] : memref<409600x128xf32, #tpu.memory_space<hbm>> -> memref<64x128xf32, #tpu.memory_space<hbm>>
    %dma_start3A_272 = arith.constant 0 : i32
    %dma_start3A_273 = tpu.memref_slice %arg4[%add3A_264, %dma_start3A_272] : memref<409600x128xf32, #tpu.memory_space<hbm>> -> memref<64x128xf32, #tpu.memory_space<hbm>>
    %dma_start3A_274 = arith.constant 0 : i32
    %dma_start3A_275 = arith.constant 0 : i32
    %dma_start3A_276 = tpu.memref_slice %arg6[%dma_start3A_265, %dma_start3A_274, %dma_start3A_275] : memref<8x64x128xf32, #tpu.memory_space<vmem>> -> memref<1x64x128xf32, #tpu.memory_space<vmem>>
    %dma_start3A_277 = tpu.memref_squeeze %dma_start3A_276 : memref<1x64x128xf32, #tpu.memory_space<vmem>> -> memref<64x128xf32, #tpu.memory_space<vmem>>
    tpu.enqueue_dma source(%dma_start3A_277 : memref<64x128xf32, #tpu.memory_space<vmem>>) target(%dma_start3A_273 : memref<64x128xf32, #tpu.memory_space<hbm>>) target_semaphore(%arg21 : memref<!tpu.dma_semaphore, #tpu.memory_space<semaphore_mem>>)
    %multiple_of3A_278 = arith.constant 448 : i32
    %multiple_of3A_279 = tpu.assume_multiple %multiple_of3A_278, 8 : i32
    %dma_wait3A_280 = arith.constant 7 : i32
    %dma_wait3A_281 = arith.constant 0 : i32
    %dma_wait3A_282 = arith.constant 0 : i32
    %dma_wait3A_283 = tpu.memref_slice %arg6[%dma_wait3A_280, %dma_wait3A_281, %dma_wait3A_282] : memref<8x64x128xf32, #tpu.memory_space<vmem>> -> memref<1x64x128xf32, #tpu.memory_space<vmem>>
    %dma_wait3A_284 = tpu.memref_squeeze %dma_wait3A_283 : memref<1x64x128xf32, #tpu.memory_space<vmem>> -> memref<64x128xf32, #tpu.memory_space<vmem>>
    %dma_wait3A_285 = tpu.memref_slice %arg5[%multiple_of3A_279] : memref<12800xi32, #tpu.memory_space<vmem>> -> memref<64xi32, #tpu.memory_space<vmem>>
    %dma_wait3A_286 = arith.constant 0 : i32
    %dma_wait3A_287 = arith.constant 0 : i32
    %dma_wait3A_288 = tpu.memref_slice %arg3[%dma_wait3A_286, %dma_wait3A_287] : memref<100000x128xf32, #tpu.memory_space<hbm>> -> memref<100000x128xf32, #tpu.memory_space<hbm>>
    tpu.wait_indirect_dma semaphore(%arg14 : memref<!tpu.dma_semaphore, #tpu.memory_space<semaphore_mem>>) src(%dma_wait3A_288 : memref<100000x128xf32, #tpu.memory_space<hbm>>) dst(%dma_wait3A_284 : memref<64x128xf32, #tpu.memory_space<vmem>>)
    %multiple_of3A_289 = arith.constant 448 : i32
    %multiple_of3A_290 = tpu.assume_multiple %multiple_of3A_289, 8 : i32
    %add3A_291 = arith.addi %multiple_of3A, %multiple_of3A_290 : i32
    %dma_start3A_292 = arith.constant 7 : i32
    %dma_start3A_293 = arith.constant 0 : i32
    %dma_start3A_294 = arith.constant 0 : i32
    %dma_start3A_295 = tpu.memref_slice %arg6[%dma_start3A_292, %dma_start3A_293, %dma_start3A_294] : memref<8x64x128xf32, #tpu.memory_space<vmem>> -> memref<1x64x128xf32, #tpu.memory_space<vmem>>
    %dma_start3A_296 = tpu.memref_squeeze %dma_start3A_295 : memref<1x64x128xf32, #tpu.memory_space<vmem>> -> memref<64x128xf32, #tpu.memory_space<vmem>>
    %dma_start3A_297 = arith.constant 0 : i32
    %dma_start3A_298 = tpu.memref_slice %arg4[%add3A_291, %dma_start3A_297] : memref<409600x128xf32, #tpu.memory_space<hbm>> -> memref<64x128xf32, #tpu.memory_space<hbm>>
    %dma_start3A_299 = arith.constant 0 : i32
    %dma_start3A_300 = tpu.memref_slice %arg4[%add3A_291, %dma_start3A_299] : memref<409600x128xf32, #tpu.memory_space<hbm>> -> memref<64x128xf32, #tpu.memory_space<hbm>>
    %dma_start3A_301 = arith.constant 0 : i32
    %dma_start3A_302 = arith.constant 0 : i32
    %dma_start3A_303 = tpu.memref_slice %arg6[%dma_start3A_292, %dma_start3A_301, %dma_start3A_302] : memref<8x64x128xf32, #tpu.memory_space<vmem>> -> memref<1x64x128xf32, #tpu.memory_space<vmem>>
    %dma_start3A_304 = tpu.memref_squeeze %dma_start3A_303 : memref<1x64x128xf32, #tpu.memory_space<vmem>> -> memref<64x128xf32, #tpu.memory_space<vmem>>
    tpu.enqueue_dma source(%dma_start3A_304 : memref<64x128xf32, #tpu.memory_space<vmem>>) target(%dma_start3A_300 : memref<64x128xf32, #tpu.memory_space<hbm>>) target_semaphore(%arg22 : memref<!tpu.dma_semaphore, #tpu.memory_space<semaphore_mem>>)
    %scan3A = arith.constant 0 : i32
    %scan3A_305 = arith.constant 1 : i32
    %scan3A_306 = arith.constant 24 : i32
    %scan3A_307 = arith.addi %scan3A_305, %scan3A_306 : i32
    %scan3A_308 = arith.constant 1 : i32
    scf.for %scan3A_438 = %scan3A_305 to %scan3A_307 step %scan3A_308  : i32 {
      %mul3A_439 = arith.constant 8 : i32
      %mul3A_440 = arith.muli %scan3A_438, %mul3A_439 : i32
      %add3A_441 = arith.constant 0 : i32
      %add3A_442 = arith.addi %mul3A_440, %add3A_441 : i32
      %sub3A = arith.constant 8 : i32
      %sub3A_443 = arith.subi %add3A_442, %sub3A : i32
      %mul3A_444 = arith.constant 64 : i32
      %mul3A_445 = arith.muli %sub3A_443, %mul3A_444 : i32
      %multiple_of3A_446 = tpu.assume_multiple %mul3A_445, 8 : i32
      %add3A_447 = arith.addi %multiple_of3A, %multiple_of3A_446 : i32
      %dma_wait3A_448 = arith.constant 0 : i32
      %dma_wait3A_449 = arith.constant 0 : i32
      %dma_wait3A_450 = arith.constant 0 : i32
      %dma_wait3A_451 = tpu.memref_slice %arg6[%dma_wait3A_448, %dma_wait3A_449, %dma_wait3A_450] : memref<8x64x128xf32, #tpu.memory_space<vmem>> -> memref<1x64x128xf32, #tpu.memory_space<vmem>>
      %dma_wait3A_452 = tpu.memref_squeeze %dma_wait3A_451 : memref<1x64x128xf32, #tpu.memory_space<vmem>> -> memref<64x128xf32, #tpu.memory_space<vmem>>
      %dma_wait3A_453 = arith.constant 0 : i32
      %dma_wait3A_454 = tpu.memref_slice %arg4[%add3A_447, %dma_wait3A_453] : memref<409600x128xf32, #tpu.memory_space<hbm>> -> memref<64x128xf32, #tpu.memory_space<hbm>>
      %dma_wait3A_455 = arith.constant 0 : i32
      %dma_wait3A_456 = tpu.memref_slice %arg4[%add3A_447, %dma_wait3A_455] : memref<409600x128xf32, #tpu.memory_space<hbm>> -> memref<64x128xf32, #tpu.memory_space<hbm>>
      %dma_wait3A_457 = arith.constant 0 : i32
      %dma_wait3A_458 = arith.constant 0 : i32
      %dma_wait3A_459 = tpu.memref_slice %arg6[%dma_wait3A_448, %dma_wait3A_457, %dma_wait3A_458] : memref<8x64x128xf32, #tpu.memory_space<vmem>> -> memref<1x64x128xf32, #tpu.memory_space<vmem>>
      %dma_wait3A_460 = tpu.memref_squeeze %dma_wait3A_459 : memref<1x64x128xf32, #tpu.memory_space<vmem>> -> memref<64x128xf32, #tpu.memory_space<vmem>>
      tpu.wait_dma2 semaphore(%arg15 : memref<!tpu.dma_semaphore, #tpu.memory_space<semaphore_mem>>) src(%dma_wait3A_460 : memref<64x128xf32, #tpu.memory_space<vmem>>) dst(%dma_wait3A_456 : memref<64x128xf32, #tpu.memory_space<hbm>>)
      %add3A_461 = arith.constant 0 : i32
      %add3A_462 = arith.addi %mul3A_440, %add3A_461 : i32
      %mul3A_463 = arith.constant 64 : i32
      %mul3A_464 = arith.muli %add3A_462, %mul3A_463 : i32
      %multiple_of3A_465 = tpu.assume_multiple %mul3A_464, 8 : i32
      %dma_start3A_466 = arith.constant 0 : i32
      %dma_start3A_467 = arith.constant 0 : i32
      %dma_start3A_468 = arith.constant 0 : i32
      %dma_start3A_469 = tpu.memref_slice %arg6[%dma_start3A_466, %dma_start3A_467, %dma_start3A_468] : memref<8x64x128xf32, #tpu.memory_space<vmem>> -> memref<1x64x128xf32, #tpu.memory_space<vmem>>
      %dma_start3A_470 = tpu.memref_squeeze %dma_start3A_469 : memref<1x64x128xf32, #tpu.memory_space<vmem>> -> memref<64x128xf32, #tpu.memory_space<vmem>>
      %dma_start3A_471 = tpu.memref_slice %arg5[%multiple_of3A_465] : memref<12800xi32, #tpu.memory_space<vmem>> -> memref<64xi32, #tpu.memory_space<vmem>>
      %dma_start3A_472 = arith.constant 0 : i32
      %dma_start3A_473 = arith.constant 0 : i32
      %dma_start3A_474 = tpu.memref_slice %arg3[%dma_start3A_472, %dma_start3A_473] : memref<100000x128xf32, #tpu.memory_space<hbm>> -> memref<100000x128xf32, #tpu.memory_space<hbm>>
      tpu.enqueue_indirect_dma source(%dma_start3A_474 : memref<100000x128xf32, #tpu.memory_space<hbm>>) target(%dma_start3A_470 : memref<64x128xf32, #tpu.memory_space<vmem>>) offsets(%dma_start3A_471 : memref<64xi32, #tpu.memory_space<vmem>>) semaphore(%arg7 : memref<!tpu.dma_semaphore, #tpu.memory_space<semaphore_mem>>)
      %add3A_475 = arith.constant 1 : i32
      %add3A_476 = arith.addi %mul3A_440, %add3A_475 : i32
      %sub3A_477 = arith.constant 8 : i32
      %sub3A_478 = arith.subi %add3A_476, %sub3A_477 : i32
      %mul3A_479 = arith.constant 64 : i32
      %mul3A_480 = arith.muli %sub3A_478, %mul3A_479 : i32
      %multiple_of3A_481 = tpu.assume_multiple %mul3A_480, 8 : i32
      %add3A_482 = arith.addi %multiple_of3A, %multiple_of3A_481 : i32
      %dma_wait3A_483 = arith.constant 1 : i32
      %dma_wait3A_484 = arith.constant 0 : i32
      %dma_wait3A_485 = arith.constant 0 : i32
      %dma_wait3A_486 = tpu.memref_slice %arg6[%dma_wait3A_483, %dma_wait3A_484, %dma_wait3A_485] : memref<8x64x128xf32, #tpu.memory_space<vmem>> -> memref<1x64x128xf32, #tpu.memory_space<vmem>>
      %dma_wait3A_487 = tpu.memref_squeeze %dma_wait3A_486 : memref<1x64x128xf32, #tpu.memory_space<vmem>> -> memref<64x128xf32, #tpu.memory_space<vmem>>
      %dma_wait3A_488 = arith.constant 0 : i32
      %dma_wait3A_489 = tpu.memref_slice %arg4[%add3A_482, %dma_wait3A_488] : memref<409600x128xf32, #tpu.memory_space<hbm>> -> memref<64x128xf32, #tpu.memory_space<hbm>>
      %dma_wait3A_490 = arith.constant 0 : i32
      %dma_wait3A_491 = tpu.memref_slice %arg4[%add3A_482, %dma_wait3A_490] : memref<409600x128xf32, #tpu.memory_space<hbm>> -> memref<64x128xf32, #tpu.memory_space<hbm>>
      %dma_wait3A_492 = arith.constant 0 : i32
      %dma_wait3A_493 = arith.constant 0 : i32
      %dma_wait3A_494 = tpu.memref_slice %arg6[%dma_wait3A_483, %dma_wait3A_492, %dma_wait3A_493] : memref<8x64x128xf32, #tpu.memory_space<vmem>> -> memref<1x64x128xf32, #tpu.memory_space<vmem>>
      %dma_wait3A_495 = tpu.memref_squeeze %dma_wait3A_494 : memref<1x64x128xf32, #tpu.memory_space<vmem>> -> memref<64x128xf32, #tpu.memory_space<vmem>>
      tpu.wait_dma2 semaphore(%arg16 : memref<!tpu.dma_semaphore, #tpu.memory_space<semaphore_mem>>) src(%dma_wait3A_495 : memref<64x128xf32, #tpu.memory_space<vmem>>) dst(%dma_wait3A_491 : memref<64x128xf32, #tpu.memory_space<hbm>>)
      %add3A_496 = arith.constant 1 : i32
      %add3A_497 = arith.addi %mul3A_440, %add3A_496 : i32
      %mul3A_498 = arith.constant 64 : i32
      %mul3A_499 = arith.muli %add3A_497, %mul3A_498 : i32
      %multiple_of3A_500 = tpu.assume_multiple %mul3A_499, 8 : i32
      %dma_start3A_501 = arith.constant 1 : i32
      %dma_start3A_502 = arith.constant 0 : i32
      %dma_start3A_503 = arith.constant 0 : i32
      %dma_start3A_504 = tpu.memref_slice %arg6[%dma_start3A_501, %dma_start3A_502, %dma_start3A_503] : memref<8x64x128xf32, #tpu.memory_space<vmem>> -> memref<1x64x128xf32, #tpu.memory_space<vmem>>
      %dma_start3A_505 = tpu.memref_squeeze %dma_start3A_504 : memref<1x64x128xf32, #tpu.memory_space<vmem>> -> memref<64x128xf32, #tpu.memory_space<vmem>>
      %dma_start3A_506 = tpu.memref_slice %arg5[%multiple_of3A_500] : memref<12800xi32, #tpu.memory_space<vmem>> -> memref<64xi32, #tpu.memory_space<vmem>>
      %dma_start3A_507 = arith.constant 0 : i32
      %dma_start3A_508 = arith.constant 0 : i32
      %dma_start3A_509 = tpu.memref_slice %arg3[%dma_start3A_507, %dma_start3A_508] : memref<100000x128xf32, #tpu.memory_space<hbm>> -> memref<100000x128xf32, #tpu.memory_space<hbm>>
      tpu.enqueue_indirect_dma source(%dma_start3A_509 : memref<100000x128xf32, #tpu.memory_space<hbm>>) target(%dma_start3A_505 : memref<64x128xf32, #tpu.memory_space<vmem>>) offsets(%dma_start3A_506 : memref<64xi32, #tpu.memory_space<vmem>>) semaphore(%arg8 : memref<!tpu.dma_semaphore, #tpu.memory_space<semaphore_mem>>)
      %add3A_510 = arith.constant 2 : i32
      %add3A_511 = arith.addi %mul3A_440, %add3A_510 : i32
      %sub3A_512 = arith.constant 8 : i32
      %sub3A_513 = arith.subi %add3A_511, %sub3A_512 : i32
      %mul3A_514 = arith.constant 64 : i32
      %mul3A_515 = arith.muli %sub3A_513, %mul3A_514 : i32
      %multiple_of3A_516 = tpu.assume_multiple %mul3A_515, 8 : i32
      %add3A_517 = arith.addi %multiple_of3A, %multiple_of3A_516 : i32
      %dma_wait3A_518 = arith.constant 2 : i32
      %dma_wait3A_519 = arith.constant 0 : i32
      %dma_wait3A_520 = arith.constant 0 : i32
      %dma_wait3A_521 = tpu.memref_slice %arg6[%dma_wait3A_518, %dma_wait3A_519, %dma_wait3A_520] : memref<8x64x128xf32, #tpu.memory_space<vmem>> -> memref<1x64x128xf32, #tpu.memory_space<vmem>>
      %dma_wait3A_522 = tpu.memref_squeeze %dma_wait3A_521 : memref<1x64x128xf32, #tpu.memory_space<vmem>> -> memref<64x128xf32, #tpu.memory_space<vmem>>
      %dma_wait3A_523 = arith.constant 0 : i32
      %dma_wait3A_524 = tpu.memref_slice %arg4[%add3A_517, %dma_wait3A_523] : memref<409600x128xf32, #tpu.memory_space<hbm>> -> memref<64x128xf32, #tpu.memory_space<hbm>>
      %dma_wait3A_525 = arith.constant 0 : i32
      %dma_wait3A_526 = tpu.memref_slice %arg4[%add3A_517, %dma_wait3A_525] : memref<409600x128xf32, #tpu.memory_space<hbm>> -> memref<64x128xf32, #tpu.memory_space<hbm>>
      %dma_wait3A_527 = arith.constant 0 : i32
      %dma_wait3A_528 = arith.constant 0 : i32
      %dma_wait3A_529 = tpu.memref_slice %arg6[%dma_wait3A_518, %dma_wait3A_527, %dma_wait3A_528] : memref<8x64x128xf32, #tpu.memory_space<vmem>> -> memref<1x64x128xf32, #tpu.memory_space<vmem>>
      %dma_wait3A_530 = tpu.memref_squeeze %dma_wait3A_529 : memref<1x64x128xf32, #tpu.memory_space<vmem>> -> memref<64x128xf32, #tpu.memory_space<vmem>>
      tpu.wait_dma2 semaphore(%arg17 : memref<!tpu.dma_semaphore, #tpu.memory_space<semaphore_mem>>) src(%dma_wait3A_530 : memref<64x128xf32, #tpu.memory_space<vmem>>) dst(%dma_wait3A_526 : memref<64x128xf32, #tpu.memory_space<hbm>>)
      %add3A_531 = arith.constant 2 : i32
      %add3A_532 = arith.addi %mul3A_440, %add3A_531 : i32
      %mul3A_533 = arith.constant 64 : i32
      %mul3A_534 = arith.muli %add3A_532, %mul3A_533 : i32
      %multiple_of3A_535 = tpu.assume_multiple %mul3A_534, 8 : i32
      %dma_start3A_536 = arith.constant 2 : i32
      %dma_start3A_537 = arith.constant 0 : i32
      %dma_start3A_538 = arith.constant 0 : i32
      %dma_start3A_539 = tpu.memref_slice %arg6[%dma_start3A_536, %dma_start3A_537, %dma_start3A_538] : memref<8x64x128xf32, #tpu.memory_space<vmem>> -> memref<1x64x128xf32, #tpu.memory_space<vmem>>
      %dma_start3A_540 = tpu.memref_squeeze %dma_start3A_539 : memref<1x64x128xf32, #tpu.memory_space<vmem>> -> memref<64x128xf32, #tpu.memory_space<vmem>>
      %dma_start3A_541 = tpu.memref_slice %arg5[%multiple_of3A_535] : memref<12800xi32, #tpu.memory_space<vmem>> -> memref<64xi32, #tpu.memory_space<vmem>>
      %dma_start3A_542 = arith.constant 0 : i32
      %dma_start3A_543 = arith.constant 0 : i32
      %dma_start3A_544 = tpu.memref_slice %arg3[%dma_start3A_542, %dma_start3A_543] : memref<100000x128xf32, #tpu.memory_space<hbm>> -> memref<100000x128xf32, #tpu.memory_space<hbm>>
      tpu.enqueue_indirect_dma source(%dma_start3A_544 : memref<100000x128xf32, #tpu.memory_space<hbm>>) target(%dma_start3A_540 : memref<64x128xf32, #tpu.memory_space<vmem>>) offsets(%dma_start3A_541 : memref<64xi32, #tpu.memory_space<vmem>>) semaphore(%arg9 : memref<!tpu.dma_semaphore, #tpu.memory_space<semaphore_mem>>)
      %add3A_545 = arith.constant 3 : i32
      %add3A_546 = arith.addi %mul3A_440, %add3A_545 : i32
      %sub3A_547 = arith.constant 8 : i32
      %sub3A_548 = arith.subi %add3A_546, %sub3A_547 : i32
      %mul3A_549 = arith.constant 64 : i32
      %mul3A_550 = arith.muli %sub3A_548, %mul3A_549 : i32
      %multiple_of3A_551 = tpu.assume_multiple %mul3A_550, 8 : i32
      %add3A_552 = arith.addi %multiple_of3A, %multiple_of3A_551 : i32
      %dma_wait3A_553 = arith.constant 3 : i32
      %dma_wait3A_554 = arith.constant 0 : i32
      %dma_wait3A_555 = arith.constant 0 : i32
      %dma_wait3A_556 = tpu.memref_slice %arg6[%dma_wait3A_553, %dma_wait3A_554, %dma_wait3A_555] : memref<8x64x128xf32, #tpu.memory_space<vmem>> -> memref<1x64x128xf32, #tpu.memory_space<vmem>>
      %dma_wait3A_557 = tpu.memref_squeeze %dma_wait3A_556 : memref<1x64x128xf32, #tpu.memory_space<vmem>> -> memref<64x128xf32, #tpu.memory_space<vmem>>
      %dma_wait3A_558 = arith.constant 0 : i32
      %dma_wait3A_559 = tpu.memref_slice %arg4[%add3A_552, %dma_wait3A_558] : memref<409600x128xf32, #tpu.memory_space<hbm>> -> memref<64x128xf32, #tpu.memory_space<hbm>>
      %dma_wait3A_560 = arith.constant 0 : i32
      %dma_wait3A_561 = tpu.memref_slice %arg4[%add3A_552, %dma_wait3A_560] : memref<409600x128xf32, #tpu.memory_space<hbm>> -> memref<64x128xf32, #tpu.memory_space<hbm>>
      %dma_wait3A_562 = arith.constant 0 : i32
      %dma_wait3A_563 = arith.constant 0 : i32
      %dma_wait3A_564 = tpu.memref_slice %arg6[%dma_wait3A_553, %dma_wait3A_562, %dma_wait3A_563] : memref<8x64x128xf32, #tpu.memory_space<vmem>> -> memref<1x64x128xf32, #tpu.memory_space<vmem>>
      %dma_wait3A_565 = tpu.memref_squeeze %dma_wait3A_564 : memref<1x64x128xf32, #tpu.memory_space<vmem>> -> memref<64x128xf32, #tpu.memory_space<vmem>>
      tpu.wait_dma2 semaphore(%arg18 : memref<!tpu.dma_semaphore, #tpu.memory_space<semaphore_mem>>) src(%dma_wait3A_565 : memref<64x128xf32, #tpu.memory_space<vmem>>) dst(%dma_wait3A_561 : memref<64x128xf32, #tpu.memory_space<hbm>>)
      %add3A_566 = arith.constant 3 : i32
      %add3A_567 = arith.addi %mul3A_440, %add3A_566 : i32
      %mul3A_568 = arith.constant 64 : i32
      %mul3A_569 = arith.muli %add3A_567, %mul3A_568 : i32
      %multiple_of3A_570 = tpu.assume_multiple %mul3A_569, 8 : i32
      %dma_start3A_571 = arith.constant 3 : i32
      %dma_start3A_572 = arith.constant 0 : i32
      %dma_start3A_573 = arith.constant 0 : i32
      %dma_start3A_574 = tpu.memref_slice %arg6[%dma_start3A_571, %dma_start3A_572, %dma_start3A_573] : memref<8x64x128xf32, #tpu.memory_space<vmem>> -> memref<1x64x128xf32, #tpu.memory_space<vmem>>
      %dma_start3A_575 = tpu.memref_squeeze %dma_start3A_574 : memref<1x64x128xf32, #tpu.memory_space<vmem>> -> memref<64x128xf32, #tpu.memory_space<vmem>>
      %dma_start3A_576 = tpu.memref_slice %arg5[%multiple_of3A_570] : memref<12800xi32, #tpu.memory_space<vmem>> -> memref<64xi32, #tpu.memory_space<vmem>>
      %dma_start3A_577 = arith.constant 0 : i32
      %dma_start3A_578 = arith.constant 0 : i32
      %dma_start3A_579 = tpu.memref_slice %arg3[%dma_start3A_577, %dma_start3A_578] : memref<100000x128xf32, #tpu.memory_space<hbm>> -> memref<100000x128xf32, #tpu.memory_space<hbm>>
      tpu.enqueue_indirect_dma source(%dma_start3A_579 : memref<100000x128xf32, #tpu.memory_space<hbm>>) target(%dma_start3A_575 : memref<64x128xf32, #tpu.memory_space<vmem>>) offsets(%dma_start3A_576 : memref<64xi32, #tpu.memory_space<vmem>>) semaphore(%arg10 : memref<!tpu.dma_semaphore, #tpu.memory_space<semaphore_mem>>)
      %add3A_580 = arith.constant 4 : i32
      %add3A_581 = arith.addi %mul3A_440, %add3A_580 : i32
      %sub3A_582 = arith.constant 8 : i32
      %sub3A_583 = arith.subi %add3A_581, %sub3A_582 : i32
      %mul3A_584 = arith.constant 64 : i32
      %mul3A_585 = arith.muli %sub3A_583, %mul3A_584 : i32
      %multiple_of3A_586 = tpu.assume_multiple %mul3A_585, 8 : i32
      %add3A_587 = arith.addi %multiple_of3A, %multiple_of3A_586 : i32
      %dma_wait3A_588 = arith.constant 4 : i32
      %dma_wait3A_589 = arith.constant 0 : i32
      %dma_wait3A_590 = arith.constant 0 : i32
      %dma_wait3A_591 = tpu.memref_slice %arg6[%dma_wait3A_588, %dma_wait3A_589, %dma_wait3A_590] : memref<8x64x128xf32, #tpu.memory_space<vmem>> -> memref<1x64x128xf32, #tpu.memory_space<vmem>>
      %dma_wait3A_592 = tpu.memref_squeeze %dma_wait3A_591 : memref<1x64x128xf32, #tpu.memory_space<vmem>> -> memref<64x128xf32, #tpu.memory_space<vmem>>
      %dma_wait3A_593 = arith.constant 0 : i32
      %dma_wait3A_594 = tpu.memref_slice %arg4[%add3A_587, %dma_wait3A_593] : memref<409600x128xf32, #tpu.memory_space<hbm>> -> memref<64x128xf32, #tpu.memory_space<hbm>>
      %dma_wait3A_595 = arith.constant 0 : i32
      %dma_wait3A_596 = tpu.memref_slice %arg4[%add3A_587, %dma_wait3A_595] : memref<409600x128xf32, #tpu.memory_space<hbm>> -> memref<64x128xf32, #tpu.memory_space<hbm>>
      %dma_wait3A_597 = arith.constant 0 : i32
      %dma_wait3A_598 = arith.constant 0 : i32
      %dma_wait3A_599 = tpu.memref_slice %arg6[%dma_wait3A_588, %dma_wait3A_597, %dma_wait3A_598] : memref<8x64x128xf32, #tpu.memory_space<vmem>> -> memref<1x64x128xf32, #tpu.memory_space<vmem>>
      %dma_wait3A_600 = tpu.memref_squeeze %dma_wait3A_599 : memref<1x64x128xf32, #tpu.memory_space<vmem>> -> memref<64x128xf32, #tpu.memory_space<vmem>>
      tpu.wait_dma2 semaphore(%arg19 : memref<!tpu.dma_semaphore, #tpu.memory_space<semaphore_mem>>) src(%dma_wait3A_600 : memref<64x128xf32, #tpu.memory_space<vmem>>) dst(%dma_wait3A_596 : memref<64x128xf32, #tpu.memory_space<hbm>>)
      %add3A_601 = arith.constant 4 : i32
      %add3A_602 = arith.addi %mul3A_440, %add3A_601 : i32
      %mul3A_603 = arith.constant 64 : i32
      %mul3A_604 = arith.muli %add3A_602, %mul3A_603 : i32
      %multiple_of3A_605 = tpu.assume_multiple %mul3A_604, 8 : i32
      %dma_start3A_606 = arith.constant 4 : i32
      %dma_start3A_607 = arith.constant 0 : i32
      %dma_start3A_608 = arith.constant 0 : i32
      %dma_start3A_609 = tpu.memref_slice %arg6[%dma_start3A_606, %dma_start3A_607, %dma_start3A_608] : memref<8x64x128xf32, #tpu.memory_space<vmem>> -> memref<1x64x128xf32, #tpu.memory_space<vmem>>
      %dma_start3A_610 = tpu.memref_squeeze %dma_start3A_609 : memref<1x64x128xf32, #tpu.memory_space<vmem>> -> memref<64x128xf32, #tpu.memory_space<vmem>>
      %dma_start3A_611 = tpu.memref_slice %arg5[%multiple_of3A_605] : memref<12800xi32, #tpu.memory_space<vmem>> -> memref<64xi32, #tpu.memory_space<vmem>>
      %dma_start3A_612 = arith.constant 0 : i32
      %dma_start3A_613 = arith.constant 0 : i32
      %dma_start3A_614 = tpu.memref_slice %arg3[%dma_start3A_612, %dma_start3A_613] : memref<100000x128xf32, #tpu.memory_space<hbm>> -> memref<100000x128xf32, #tpu.memory_space<hbm>>
      tpu.enqueue_indirect_dma source(%dma_start3A_614 : memref<100000x128xf32, #tpu.memory_space<hbm>>) target(%dma_start3A_610 : memref<64x128xf32, #tpu.memory_space<vmem>>) offsets(%dma_start3A_611 : memref<64xi32, #tpu.memory_space<vmem>>) semaphore(%arg11 : memref<!tpu.dma_semaphore, #tpu.memory_space<semaphore_mem>>)
      %add3A_615 = arith.constant 5 : i32
      %add3A_616 = arith.addi %mul3A_440, %add3A_615 : i32
      %sub3A_617 = arith.constant 8 : i32
      %sub3A_618 = arith.subi %add3A_616, %sub3A_617 : i32
      %mul3A_619 = arith.constant 64 : i32
      %mul3A_620 = arith.muli %sub3A_618, %mul3A_619 : i32
      %multiple_of3A_621 = tpu.assume_multiple %mul3A_620, 8 : i32
      %add3A_622 = arith.addi %multiple_of3A, %multiple_of3A_621 : i32
      %dma_wait3A_623 = arith.constant 5 : i32
      %dma_wait3A_624 = arith.constant 0 : i32
      %dma_wait3A_625 = arith.constant 0 : i32
      %dma_wait3A_626 = tpu.memref_slice %arg6[%dma_wait3A_623, %dma_wait3A_624, %dma_wait3A_625] : memref<8x64x128xf32, #tpu.memory_space<vmem>> -> memref<1x64x128xf32, #tpu.memory_space<vmem>>
      %dma_wait3A_627 = tpu.memref_squeeze %dma_wait3A_626 : memref<1x64x128xf32, #tpu.memory_space<vmem>> -> memref<64x128xf32, #tpu.memory_space<vmem>>
      %dma_wait3A_628 = arith.constant 0 : i32
      %dma_wait3A_629 = tpu.memref_slice %arg4[%add3A_622, %dma_wait3A_628] : memref<409600x128xf32, #tpu.memory_space<hbm>> -> memref<64x128xf32, #tpu.memory_space<hbm>>
      %dma_wait3A_630 = arith.constant 0 : i32
      %dma_wait3A_631 = tpu.memref_slice %arg4[%add3A_622, %dma_wait3A_630] : memref<409600x128xf32, #tpu.memory_space<hbm>> -> memref<64x128xf32, #tpu.memory_space<hbm>>
      %dma_wait3A_632 = arith.constant 0 : i32
      %dma_wait3A_633 = arith.constant 0 : i32
      %dma_wait3A_634 = tpu.memref_slice %arg6[%dma_wait3A_623, %dma_wait3A_632, %dma_wait3A_633] : memref<8x64x128xf32, #tpu.memory_space<vmem>> -> memref<1x64x128xf32, #tpu.memory_space<vmem>>
      %dma_wait3A_635 = tpu.memref_squeeze %dma_wait3A_634 : memref<1x64x128xf32, #tpu.memory_space<vmem>> -> memref<64x128xf32, #tpu.memory_space<vmem>>
      tpu.wait_dma2 semaphore(%arg20 : memref<!tpu.dma_semaphore, #tpu.memory_space<semaphore_mem>>) src(%dma_wait3A_635 : memref<64x128xf32, #tpu.memory_space<vmem>>) dst(%dma_wait3A_631 : memref<64x128xf32, #tpu.memory_space<hbm>>)
      %add3A_636 = arith.constant 5 : i32
      %add3A_637 = arith.addi %mul3A_440, %add3A_636 : i32
      %mul3A_638 = arith.constant 64 : i32
      %mul3A_639 = arith.muli %add3A_637, %mul3A_638 : i32
      %multiple_of3A_640 = tpu.assume_multiple %mul3A_639, 8 : i32
      %dma_start3A_641 = arith.constant 5 : i32
      %dma_start3A_642 = arith.constant 0 : i32
      %dma_start3A_643 = arith.constant 0 : i32
      %dma_start3A_644 = tpu.memref_slice %arg6[%dma_start3A_641, %dma_start3A_642, %dma_start3A_643] : memref<8x64x128xf32, #tpu.memory_space<vmem>> -> memref<1x64x128xf32, #tpu.memory_space<vmem>>
      %dma_start3A_645 = tpu.memref_squeeze %dma_start3A_644 : memref<1x64x128xf32, #tpu.memory_space<vmem>> -> memref<64x128xf32, #tpu.memory_space<vmem>>
      %dma_start3A_646 = tpu.memref_slice %arg5[%multiple_of3A_640] : memref<12800xi32, #tpu.memory_space<vmem>> -> memref<64xi32, #tpu.memory_space<vmem>>
      %dma_start3A_647 = arith.constant 0 : i32
      %dma_start3A_648 = arith.constant 0 : i32
      %dma_start3A_649 = tpu.memref_slice %arg3[%dma_start3A_647, %dma_start3A_648] : memref<100000x128xf32, #tpu.memory_space<hbm>> -> memref<100000x128xf32, #tpu.memory_space<hbm>>
      tpu.enqueue_indirect_dma source(%dma_start3A_649 : memref<100000x128xf32, #tpu.memory_space<hbm>>) target(%dma_start3A_645 : memref<64x128xf32, #tpu.memory_space<vmem>>) offsets(%dma_start3A_646 : memref<64xi32, #tpu.memory_space<vmem>>) semaphore(%arg12 : memref<!tpu.dma_semaphore, #tpu.memory_space<semaphore_mem>>)
      %add3A_650 = arith.constant 6 : i32
      %add3A_651 = arith.addi %mul3A_440, %add3A_650 : i32
      %sub3A_652 = arith.constant 8 : i32
      %sub3A_653 = arith.subi %add3A_651, %sub3A_652 : i32
      %mul3A_654 = arith.constant 64 : i32
      %mul3A_655 = arith.muli %sub3A_653, %mul3A_654 : i32
      %multiple_of3A_656 = tpu.assume_multiple %mul3A_655, 8 : i32
      %add3A_657 = arith.addi %multiple_of3A, %multiple_of3A_656 : i32
      %dma_wait3A_658 = arith.constant 6 : i32
      %dma_wait3A_659 = arith.constant 0 : i32
      %dma_wait3A_660 = arith.constant 0 : i32
      %dma_wait3A_661 = tpu.memref_slice %arg6[%dma_wait3A_658, %dma_wait3A_659, %dma_wait3A_660] : memref<8x64x128xf32, #tpu.memory_space<vmem>> -> memref<1x64x128xf32, #tpu.memory_space<vmem>>
      %dma_wait3A_662 = tpu.memref_squeeze %dma_wait3A_661 : memref<1x64x128xf32, #tpu.memory_space<vmem>> -> memref<64x128xf32, #tpu.memory_space<vmem>>
      %dma_wait3A_663 = arith.constant 0 : i32
      %dma_wait3A_664 = tpu.memref_slice %arg4[%add3A_657, %dma_wait3A_663] : memref<409600x128xf32, #tpu.memory_space<hbm>> -> memref<64x128xf32, #tpu.memory_space<hbm>>
      %dma_wait3A_665 = arith.constant 0 : i32
      %dma_wait3A_666 = tpu.memref_slice %arg4[%add3A_657, %dma_wait3A_665] : memref<409600x128xf32, #tpu.memory_space<hbm>> -> memref<64x128xf32, #tpu.memory_space<hbm>>
      %dma_wait3A_667 = arith.constant 0 : i32
      %dma_wait3A_668 = arith.constant 0 : i32
      %dma_wait3A_669 = tpu.memref_slice %arg6[%dma_wait3A_658, %dma_wait3A_667, %dma_wait3A_668] : memref<8x64x128xf32, #tpu.memory_space<vmem>> -> memref<1x64x128xf32, #tpu.memory_space<vmem>>
      %dma_wait3A_670 = tpu.memref_squeeze %dma_wait3A_669 : memref<1x64x128xf32, #tpu.memory_space<vmem>> -> memref<64x128xf32, #tpu.memory_space<vmem>>
      tpu.wait_dma2 semaphore(%arg21 : memref<!tpu.dma_semaphore, #tpu.memory_space<semaphore_mem>>) src(%dma_wait3A_670 : memref<64x128xf32, #tpu.memory_space<vmem>>) dst(%dma_wait3A_666 : memref<64x128xf32, #tpu.memory_space<hbm>>)
      %add3A_671 = arith.constant 6 : i32
      %add3A_672 = arith.addi %mul3A_440, %add3A_671 : i32
      %mul3A_673 = arith.constant 64 : i32
      %mul3A_674 = arith.muli %add3A_672, %mul3A_673 : i32
      %multiple_of3A_675 = tpu.assume_multiple %mul3A_674, 8 : i32
      %dma_start3A_676 = arith.constant 6 : i32
      %dma_start3A_677 = arith.constant 0 : i32
      %dma_start3A_678 = arith.constant 0 : i32
      %dma_start3A_679 = tpu.memref_slice %arg6[%dma_start3A_676, %dma_start3A_677, %dma_start3A_678] : memref<8x64x128xf32, #tpu.memory_space<vmem>> -> memref<1x64x128xf32, #tpu.memory_space<vmem>>
      %dma_start3A_680 = tpu.memref_squeeze %dma_start3A_679 : memref<1x64x128xf32, #tpu.memory_space<vmem>> -> memref<64x128xf32, #tpu.memory_space<vmem>>
      %dma_start3A_681 = tpu.memref_slice %arg5[%multiple_of3A_675] : memref<12800xi32, #tpu.memory_space<vmem>> -> memref<64xi32, #tpu.memory_space<vmem>>
      %dma_start3A_682 = arith.constant 0 : i32
      %dma_start3A_683 = arith.constant 0 : i32
      %dma_start3A_684 = tpu.memref_slice %arg3[%dma_start3A_682, %dma_start3A_683] : memref<100000x128xf32, #tpu.memory_space<hbm>> -> memref<100000x128xf32, #tpu.memory_space<hbm>>
      tpu.enqueue_indirect_dma source(%dma_start3A_684 : memref<100000x128xf32, #tpu.memory_space<hbm>>) target(%dma_start3A_680 : memref<64x128xf32, #tpu.memory_space<vmem>>) offsets(%dma_start3A_681 : memref<64xi32, #tpu.memory_space<vmem>>) semaphore(%arg13 : memref<!tpu.dma_semaphore, #tpu.memory_space<semaphore_mem>>)
      %add3A_685 = arith.constant 7 : i32
      %add3A_686 = arith.addi %mul3A_440, %add3A_685 : i32
      %sub3A_687 = arith.constant 8 : i32
      %sub3A_688 = arith.subi %add3A_686, %sub3A_687 : i32
      %mul3A_689 = arith.constant 64 : i32
      %mul3A_690 = arith.muli %sub3A_688, %mul3A_689 : i32
      %multiple_of3A_691 = tpu.assume_multiple %mul3A_690, 8 : i32
      %add3A_692 = arith.addi %multiple_of3A, %multiple_of3A_691 : i32
      %dma_wait3A_693 = arith.constant 7 : i32
      %dma_wait3A_694 = arith.constant 0 : i32
      %dma_wait3A_695 = arith.constant 0 : i32
      %dma_wait3A_696 = tpu.memref_slice %arg6[%dma_wait3A_693, %dma_wait3A_694, %dma_wait3A_695] : memref<8x64x128xf32, #tpu.memory_space<vmem>> -> memref<1x64x128xf32, #tpu.memory_space<vmem>>
      %dma_wait3A_697 = tpu.memref_squeeze %dma_wait3A_696 : memref<1x64x128xf32, #tpu.memory_space<vmem>> -> memref<64x128xf32, #tpu.memory_space<vmem>>
      %dma_wait3A_698 = arith.constant 0 : i32
      %dma_wait3A_699 = tpu.memref_slice %arg4[%add3A_692, %dma_wait3A_698] : memref<409600x128xf32, #tpu.memory_space<hbm>> -> memref<64x128xf32, #tpu.memory_space<hbm>>
      %dma_wait3A_700 = arith.constant 0 : i32
      %dma_wait3A_701 = tpu.memref_slice %arg4[%add3A_692, %dma_wait3A_700] : memref<409600x128xf32, #tpu.memory_space<hbm>> -> memref<64x128xf32, #tpu.memory_space<hbm>>
      %dma_wait3A_702 = arith.constant 0 : i32
      %dma_wait3A_703 = arith.constant 0 : i32
      %dma_wait3A_704 = tpu.memref_slice %arg6[%dma_wait3A_693, %dma_wait3A_702, %dma_wait3A_703] : memref<8x64x128xf32, #tpu.memory_space<vmem>> -> memref<1x64x128xf32, #tpu.memory_space<vmem>>
      %dma_wait3A_705 = tpu.memref_squeeze %dma_wait3A_704 : memref<1x64x128xf32, #tpu.memory_space<vmem>> -> memref<64x128xf32, #tpu.memory_space<vmem>>
      tpu.wait_dma2 semaphore(%arg22 : memref<!tpu.dma_semaphore, #tpu.memory_space<semaphore_mem>>) src(%dma_wait3A_705 : memref<64x128xf32, #tpu.memory_space<vmem>>) dst(%dma_wait3A_701 : memref<64x128xf32, #tpu.memory_space<hbm>>)
      %add3A_706 = arith.constant 7 : i32
      %add3A_707 = arith.addi %mul3A_440, %add3A_706 : i32
      %mul3A_708 = arith.constant 64 : i32
      %mul3A_709 = arith.muli %add3A_707, %mul3A_708 : i32
      %multiple_of3A_710 = tpu.assume_multiple %mul3A_709, 8 : i32
      %dma_start3A_711 = arith.constant 7 : i32
      %dma_start3A_712 = arith.constant 0 : i32
      %dma_start3A_713 = arith.constant 0 : i32
      %dma_start3A_714 = tpu.memref_slice %arg6[%dma_start3A_711, %dma_start3A_712, %dma_start3A_713] : memref<8x64x128xf32, #tpu.memory_space<vmem>> -> memref<1x64x128xf32, #tpu.memory_space<vmem>>
      %dma_start3A_715 = tpu.memref_squeeze %dma_start3A_714 : memref<1x64x128xf32, #tpu.memory_space<vmem>> -> memref<64x128xf32, #tpu.memory_space<vmem>>
      %dma_start3A_716 = tpu.memref_slice %arg5[%multiple_of3A_710] : memref<12800xi32, #tpu.memory_space<vmem>> -> memref<64xi32, #tpu.memory_space<vmem>>
      %dma_start3A_717 = arith.constant 0 : i32
      %dma_start3A_718 = arith.constant 0 : i32
      %dma_start3A_719 = tpu.memref_slice %arg3[%dma_start3A_717, %dma_start3A_718] : memref<100000x128xf32, #tpu.memory_space<hbm>> -> memref<100000x128xf32, #tpu.memory_space<hbm>>
      tpu.enqueue_indirect_dma source(%dma_start3A_719 : memref<100000x128xf32, #tpu.memory_space<hbm>>) target(%dma_start3A_715 : memref<64x128xf32, #tpu.memory_space<vmem>>) offsets(%dma_start3A_716 : memref<64xi32, #tpu.memory_space<vmem>>) semaphore(%arg14 : memref<!tpu.dma_semaphore, #tpu.memory_space<semaphore_mem>>)
      %add3A_720 = arith.constant 0 : i32
      %add3A_721 = arith.addi %mul3A_440, %add3A_720 : i32
      %mul3A_722 = arith.constant 64 : i32
      %mul3A_723 = arith.muli %add3A_721, %mul3A_722 : i32
      %multiple_of3A_724 = tpu.assume_multiple %mul3A_723, 8 : i32
      %dma_wait3A_725 = arith.constant 0 : i32
      %dma_wait3A_726 = arith.constant 0 : i32
      %dma_wait3A_727 = arith.constant 0 : i32
      %dma_wait3A_728 = tpu.memref_slice %arg6[%dma_wait3A_725, %dma_wait3A_726, %dma_wait3A_727] : memref<8x64x128xf32, #tpu.memory_space<vmem>> -> memref<1x64x128xf32, #tpu.memory_space<vmem>>
      %dma_wait3A_729 = tpu.memref_squeeze %dma_wait3A_728 : memref<1x64x128xf32, #tpu.memory_space<vmem>> -> memref<64x128xf32, #tpu.memory_space<vmem>>
      %dma_wait3A_730 = tpu.memref_slice %arg5[%multiple_of3A_724] : memref<12800xi32, #tpu.memory_space<vmem>> -> memref<64xi32, #tpu.memory_space<vmem>>
      %dma_wait3A_731 = arith.constant 0 : i32
      %dma_wait3A_732 = arith.constant 0 : i32
      %dma_wait3A_733 = tpu.memref_slice %arg3[%dma_wait3A_731, %dma_wait3A_732] : memref<100000x128xf32, #tpu.memory_space<hbm>> -> memref<100000x128xf32, #tpu.memory_space<hbm>>
      tpu.wait_indirect_dma semaphore(%arg7 : memref<!tpu.dma_semaphore, #tpu.memory_space<semaphore_mem>>) src(%dma_wait3A_733 : memref<100000x128xf32, #tpu.memory_space<hbm>>) dst(%dma_wait3A_729 : memref<64x128xf32, #tpu.memory_space<vmem>>)
      %add3A_734 = arith.constant 0 : i32
      %add3A_735 = arith.addi %mul3A_440, %add3A_734 : i32
      %mul3A_736 = arith.constant 64 : i32
      %mul3A_737 = arith.muli %add3A_735, %mul3A_736 : i32
      %multiple_of3A_738 = tpu.assume_multiple %mul3A_737, 8 : i32
      %add3A_739 = arith.addi %multiple_of3A, %multiple_of3A_738 : i32
      %dma_start3A_740 = arith.constant 0 : i32
      %dma_start3A_741 = arith.constant 0 : i32
      %dma_start3A_742 = arith.constant 0 : i32
      %dma_start3A_743 = tpu.memref_slice %arg6[%dma_start3A_740, %dma_start3A_741, %dma_start3A_742] : memref<8x64x128xf32, #tpu.memory_space<vmem>> -> memref<1x64x128xf32, #tpu.memory_space<vmem>>
      %dma_start3A_744 = tpu.memref_squeeze %dma_start3A_743 : memref<1x64x128xf32, #tpu.memory_space<vmem>> -> memref<64x128xf32, #tpu.memory_space<vmem>>
      %dma_start3A_745 = arith.constant 0 : i32
      %dma_start3A_746 = tpu.memref_slice %arg4[%add3A_739, %dma_start3A_745] : memref<409600x128xf32, #tpu.memory_space<hbm>> -> memref<64x128xf32, #tpu.memory_space<hbm>>
      %dma_start3A_747 = arith.constant 0 : i32
      %dma_start3A_748 = tpu.memref_slice %arg4[%add3A_739, %dma_start3A_747] : memref<409600x128xf32, #tpu.memory_space<hbm>> -> memref<64x128xf32, #tpu.memory_space<hbm>>
      %dma_start3A_749 = arith.constant 0 : i32
      %dma_start3A_750 = arith.constant 0 : i32
      %dma_start3A_751 = tpu.memref_slice %arg6[%dma_start3A_740, %dma_start3A_749, %dma_start3A_750] : memref<8x64x128xf32, #tpu.memory_space<vmem>> -> memref<1x64x128xf32, #tpu.memory_space<vmem>>
      %dma_start3A_752 = tpu.memref_squeeze %dma_start3A_751 : memref<1x64x128xf32, #tpu.memory_space<vmem>> -> memref<64x128xf32, #tpu.memory_space<vmem>>
      tpu.enqueue_dma source(%dma_start3A_752 : memref<64x128xf32, #tpu.memory_space<vmem>>) target(%dma_start3A_748 : memref<64x128xf32, #tpu.memory_space<hbm>>) target_semaphore(%arg15 : memref<!tpu.dma_semaphore, #tpu.memory_space<semaphore_mem>>)
      %add3A_753 = arith.constant 1 : i32
      %add3A_754 = arith.addi %mul3A_440, %add3A_753 : i32
      %mul3A_755 = arith.constant 64 : i32
      %mul3A_756 = arith.muli %add3A_754, %mul3A_755 : i32
      %multiple_of3A_757 = tpu.assume_multiple %mul3A_756, 8 : i32
      %dma_wait3A_758 = arith.constant 1 : i32
      %dma_wait3A_759 = arith.constant 0 : i32
      %dma_wait3A_760 = arith.constant 0 : i32
      %dma_wait3A_761 = tpu.memref_slice %arg6[%dma_wait3A_758, %dma_wait3A_759, %dma_wait3A_760] : memref<8x64x128xf32, #tpu.memory_space<vmem>> -> memref<1x64x128xf32, #tpu.memory_space<vmem>>
      %dma_wait3A_762 = tpu.memref_squeeze %dma_wait3A_761 : memref<1x64x128xf32, #tpu.memory_space<vmem>> -> memref<64x128xf32, #tpu.memory_space<vmem>>
      %dma_wait3A_763 = tpu.memref_slice %arg5[%multiple_of3A_757] : memref<12800xi32, #tpu.memory_space<vmem>> -> memref<64xi32, #tpu.memory_space<vmem>>
      %dma_wait3A_764 = arith.constant 0 : i32
      %dma_wait3A_765 = arith.constant 0 : i32
      %dma_wait3A_766 = tpu.memref_slice %arg3[%dma_wait3A_764, %dma_wait3A_765] : memref<100000x128xf32, #tpu.memory_space<hbm>> -> memref<100000x128xf32, #tpu.memory_space<hbm>>
      tpu.wait_indirect_dma semaphore(%arg8 : memref<!tpu.dma_semaphore, #tpu.memory_space<semaphore_mem>>) src(%dma_wait3A_766 : memref<100000x128xf32, #tpu.memory_space<hbm>>) dst(%dma_wait3A_762 : memref<64x128xf32, #tpu.memory_space<vmem>>)
      %add3A_767 = arith.constant 1 : i32
      %add3A_768 = arith.addi %mul3A_440, %add3A_767 : i32
      %mul3A_769 = arith.constant 64 : i32
      %mul3A_770 = arith.muli %add3A_768, %mul3A_769 : i32
      %multiple_of3A_771 = tpu.assume_multiple %mul3A_770, 8 : i32
      %add3A_772 = arith.addi %multiple_of3A, %multiple_of3A_771 : i32
      %dma_start3A_773 = arith.constant 1 : i32
      %dma_start3A_774 = arith.constant 0 : i32
      %dma_start3A_775 = arith.constant 0 : i32
      %dma_start3A_776 = tpu.memref_slice %arg6[%dma_start3A_773, %dma_start3A_774, %dma_start3A_775] : memref<8x64x128xf32, #tpu.memory_space<vmem>> -> memref<1x64x128xf32, #tpu.memory_space<vmem>>
      %dma_start3A_777 = tpu.memref_squeeze %dma_start3A_776 : memref<1x64x128xf32, #tpu.memory_space<vmem>> -> memref<64x128xf32, #tpu.memory_space<vmem>>
      %dma_start3A_778 = arith.constant 0 : i32
      %dma_start3A_779 = tpu.memref_slice %arg4[%add3A_772, %dma_start3A_778] : memref<409600x128xf32, #tpu.memory_space<hbm>> -> memref<64x128xf32, #tpu.memory_space<hbm>>
      %dma_start3A_780 = arith.constant 0 : i32
      %dma_start3A_781 = tpu.memref_slice %arg4[%add3A_772, %dma_start3A_780] : memref<409600x128xf32, #tpu.memory_space<hbm>> -> memref<64x128xf32, #tpu.memory_space<hbm>>
      %dma_start3A_782 = arith.constant 0 : i32
      %dma_start3A_783 = arith.constant 0 : i32
      %dma_start3A_784 = tpu.memref_slice %arg6[%dma_start3A_773, %dma_start3A_782, %dma_start3A_783] : memref<8x64x128xf32, #tpu.memory_space<vmem>> -> memref<1x64x128xf32, #tpu.memory_space<vmem>>
      %dma_start3A_785 = tpu.memref_squeeze %dma_start3A_784 : memref<1x64x128xf32, #tpu.memory_space<vmem>> -> memref<64x128xf32, #tpu.memory_space<vmem>>
      tpu.enqueue_dma source(%dma_start3A_785 : memref<64x128xf32, #tpu.memory_space<vmem>>) target(%dma_start3A_781 : memref<64x128xf32, #tpu.memory_space<hbm>>) target_semaphore(%arg16 : memref<!tpu.dma_semaphore, #tpu.memory_space<semaphore_mem>>)
      %add3A_786 = arith.constant 2 : i32
      %add3A_787 = arith.addi %mul3A_440, %add3A_786 : i32
      %mul3A_788 = arith.constant 64 : i32
      %mul3A_789 = arith.muli %add3A_787, %mul3A_788 : i32
      %multiple_of3A_790 = tpu.assume_multiple %mul3A_789, 8 : i32
      %dma_wait3A_791 = arith.constant 2 : i32
      %dma_wait3A_792 = arith.constant 0 : i32
      %dma_wait3A_793 = arith.constant 0 : i32
      %dma_wait3A_794 = tpu.memref_slice %arg6[%dma_wait3A_791, %dma_wait3A_792, %dma_wait3A_793] : memref<8x64x128xf32, #tpu.memory_space<vmem>> -> memref<1x64x128xf32, #tpu.memory_space<vmem>>
      %dma_wait3A_795 = tpu.memref_squeeze %dma_wait3A_794 : memref<1x64x128xf32, #tpu.memory_space<vmem>> -> memref<64x128xf32, #tpu.memory_space<vmem>>
      %dma_wait3A_796 = tpu.memref_slice %arg5[%multiple_of3A_790] : memref<12800xi32, #tpu.memory_space<vmem>> -> memref<64xi32, #tpu.memory_space<vmem>>
      %dma_wait3A_797 = arith.constant 0 : i32
      %dma_wait3A_798 = arith.constant 0 : i32
      %dma_wait3A_799 = tpu.memref_slice %arg3[%dma_wait3A_797, %dma_wait3A_798] : memref<100000x128xf32, #tpu.memory_space<hbm>> -> memref<100000x128xf32, #tpu.memory_space<hbm>>
      tpu.wait_indirect_dma semaphore(%arg9 : memref<!tpu.dma_semaphore, #tpu.memory_space<semaphore_mem>>) src(%dma_wait3A_799 : memref<100000x128xf32, #tpu.memory_space<hbm>>) dst(%dma_wait3A_795 : memref<64x128xf32, #tpu.memory_space<vmem>>)
      %add3A_800 = arith.constant 2 : i32
      %add3A_801 = arith.addi %mul3A_440, %add3A_800 : i32
      %mul3A_802 = arith.constant 64 : i32
      %mul3A_803 = arith.muli %add3A_801, %mul3A_802 : i32
      %multiple_of3A_804 = tpu.assume_multiple %mul3A_803, 8 : i32
      %add3A_805 = arith.addi %multiple_of3A, %multiple_of3A_804 : i32
      %dma_start3A_806 = arith.constant 2 : i32
      %dma_start3A_807 = arith.constant 0 : i32
      %dma_start3A_808 = arith.constant 0 : i32
      %dma_start3A_809 = tpu.memref_slice %arg6[%dma_start3A_806, %dma_start3A_807, %dma_start3A_808] : memref<8x64x128xf32, #tpu.memory_space<vmem>> -> memref<1x64x128xf32, #tpu.memory_space<vmem>>
      %dma_start3A_810 = tpu.memref_squeeze %dma_start3A_809 : memref<1x64x128xf32, #tpu.memory_space<vmem>> -> memref<64x128xf32, #tpu.memory_space<vmem>>
      %dma_start3A_811 = arith.constant 0 : i32
      %dma_start3A_812 = tpu.memref_slice %arg4[%add3A_805, %dma_start3A_811] : memref<409600x128xf32, #tpu.memory_space<hbm>> -> memref<64x128xf32, #tpu.memory_space<hbm>>
      %dma_start3A_813 = arith.constant 0 : i32
      %dma_start3A_814 = tpu.memref_slice %arg4[%add3A_805, %dma_start3A_813] : memref<409600x128xf32, #tpu.memory_space<hbm>> -> memref<64x128xf32, #tpu.memory_space<hbm>>
      %dma_start3A_815 = arith.constant 0 : i32
      %dma_start3A_816 = arith.constant 0 : i32
      %dma_start3A_817 = tpu.memref_slice %arg6[%dma_start3A_806, %dma_start3A_815, %dma_start3A_816] : memref<8x64x128xf32, #tpu.memory_space<vmem>> -> memref<1x64x128xf32, #tpu.memory_space<vmem>>
      %dma_start3A_818 = tpu.memref_squeeze %dma_start3A_817 : memref<1x64x128xf32, #tpu.memory_space<vmem>> -> memref<64x128xf32, #tpu.memory_space<vmem>>
      tpu.enqueue_dma source(%dma_start3A_818 : memref<64x128xf32, #tpu.memory_space<vmem>>) target(%dma_start3A_814 : memref<64x128xf32, #tpu.memory_space<hbm>>) target_semaphore(%arg17 : memref<!tpu.dma_semaphore, #tpu.memory_space<semaphore_mem>>)
      %add3A_819 = arith.constant 3 : i32
      %add3A_820 = arith.addi %mul3A_440, %add3A_819 : i32
      %mul3A_821 = arith.constant 64 : i32
      %mul3A_822 = arith.muli %add3A_820, %mul3A_821 : i32
      %multiple_of3A_823 = tpu.assume_multiple %mul3A_822, 8 : i32
      %dma_wait3A_824 = arith.constant 3 : i32
      %dma_wait3A_825 = arith.constant 0 : i32
      %dma_wait3A_826 = arith.constant 0 : i32
      %dma_wait3A_827 = tpu.memref_slice %arg6[%dma_wait3A_824, %dma_wait3A_825, %dma_wait3A_826] : memref<8x64x128xf32, #tpu.memory_space<vmem>> -> memref<1x64x128xf32, #tpu.memory_space<vmem>>
      %dma_wait3A_828 = tpu.memref_squeeze %dma_wait3A_827 : memref<1x64x128xf32, #tpu.memory_space<vmem>> -> memref<64x128xf32, #tpu.memory_space<vmem>>
      %dma_wait3A_829 = tpu.memref_slice %arg5[%multiple_of3A_823] : memref<12800xi32, #tpu.memory_space<vmem>> -> memref<64xi32, #tpu.memory_space<vmem>>
      %dma_wait3A_830 = arith.constant 0 : i32
      %dma_wait3A_831 = arith.constant 0 : i32
      %dma_wait3A_832 = tpu.memref_slice %arg3[%dma_wait3A_830, %dma_wait3A_831] : memref<100000x128xf32, #tpu.memory_space<hbm>> -> memref<100000x128xf32, #tpu.memory_space<hbm>>
      tpu.wait_indirect_dma semaphore(%arg10 : memref<!tpu.dma_semaphore, #tpu.memory_space<semaphore_mem>>) src(%dma_wait3A_832 : memref<100000x128xf32, #tpu.memory_space<hbm>>) dst(%dma_wait3A_828 : memref<64x128xf32, #tpu.memory_space<vmem>>)
      %add3A_833 = arith.constant 3 : i32
      %add3A_834 = arith.addi %mul3A_440, %add3A_833 : i32
      %mul3A_835 = arith.constant 64 : i32
      %mul3A_836 = arith.muli %add3A_834, %mul3A_835 : i32
      %multiple_of3A_837 = tpu.assume_multiple %mul3A_836, 8 : i32
      %add3A_838 = arith.addi %multiple_of3A, %multiple_of3A_837 : i32
      %dma_start3A_839 = arith.constant 3 : i32
      %dma_start3A_840 = arith.constant 0 : i32
      %dma_start3A_841 = arith.constant 0 : i32
      %dma_start3A_842 = tpu.memref_slice %arg6[%dma_start3A_839, %dma_start3A_840, %dma_start3A_841] : memref<8x64x128xf32, #tpu.memory_space<vmem>> -> memref<1x64x128xf32, #tpu.memory_space<vmem>>
      %dma_start3A_843 = tpu.memref_squeeze %dma_start3A_842 : memref<1x64x128xf32, #tpu.memory_space<vmem>> -> memref<64x128xf32, #tpu.memory_space<vmem>>
      %dma_start3A_844 = arith.constant 0 : i32
      %dma_start3A_845 = tpu.memref_slice %arg4[%add3A_838, %dma_start3A_844] : memref<409600x128xf32, #tpu.memory_space<hbm>> -> memref<64x128xf32, #tpu.memory_space<hbm>>
      %dma_start3A_846 = arith.constant 0 : i32
      %dma_start3A_847 = tpu.memref_slice %arg4[%add3A_838, %dma_start3A_846] : memref<409600x128xf32, #tpu.memory_space<hbm>> -> memref<64x128xf32, #tpu.memory_space<hbm>>
      %dma_start3A_848 = arith.constant 0 : i32
      %dma_start3A_849 = arith.constant 0 : i32
      %dma_start3A_850 = tpu.memref_slice %arg6[%dma_start3A_839, %dma_start3A_848, %dma_start3A_849] : memref<8x64x128xf32, #tpu.memory_space<vmem>> -> memref<1x64x128xf32, #tpu.memory_space<vmem>>
      %dma_start3A_851 = tpu.memref_squeeze %dma_start3A_850 : memref<1x64x128xf32, #tpu.memory_space<vmem>> -> memref<64x128xf32, #tpu.memory_space<vmem>>
      tpu.enqueue_dma source(%dma_start3A_851 : memref<64x128xf32, #tpu.memory_space<vmem>>) target(%dma_start3A_847 : memref<64x128xf32, #tpu.memory_space<hbm>>) target_semaphore(%arg18 : memref<!tpu.dma_semaphore, #tpu.memory_space<semaphore_mem>>)
      %add3A_852 = arith.constant 4 : i32
      %add3A_853 = arith.addi %mul3A_440, %add3A_852 : i32
      %mul3A_854 = arith.constant 64 : i32
      %mul3A_855 = arith.muli %add3A_853, %mul3A_854 : i32
      %multiple_of3A_856 = tpu.assume_multiple %mul3A_855, 8 : i32
      %dma_wait3A_857 = arith.constant 4 : i32
      %dma_wait3A_858 = arith.constant 0 : i32
      %dma_wait3A_859 = arith.constant 0 : i32
      %dma_wait3A_860 = tpu.memref_slice %arg6[%dma_wait3A_857, %dma_wait3A_858, %dma_wait3A_859] : memref<8x64x128xf32, #tpu.memory_space<vmem>> -> memref<1x64x128xf32, #tpu.memory_space<vmem>>
      %dma_wait3A_861 = tpu.memref_squeeze %dma_wait3A_860 : memref<1x64x128xf32, #tpu.memory_space<vmem>> -> memref<64x128xf32, #tpu.memory_space<vmem>>
      %dma_wait3A_862 = tpu.memref_slice %arg5[%multiple_of3A_856] : memref<12800xi32, #tpu.memory_space<vmem>> -> memref<64xi32, #tpu.memory_space<vmem>>
      %dma_wait3A_863 = arith.constant 0 : i32
      %dma_wait3A_864 = arith.constant 0 : i32
      %dma_wait3A_865 = tpu.memref_slice %arg3[%dma_wait3A_863, %dma_wait3A_864] : memref<100000x128xf32, #tpu.memory_space<hbm>> -> memref<100000x128xf32, #tpu.memory_space<hbm>>
      tpu.wait_indirect_dma semaphore(%arg11 : memref<!tpu.dma_semaphore, #tpu.memory_space<semaphore_mem>>) src(%dma_wait3A_865 : memref<100000x128xf32, #tpu.memory_space<hbm>>) dst(%dma_wait3A_861 : memref<64x128xf32, #tpu.memory_space<vmem>>)
      %add3A_866 = arith.constant 4 : i32
      %add3A_867 = arith.addi %mul3A_440, %add3A_866 : i32
      %mul3A_868 = arith.constant 64 : i32
      %mul3A_869 = arith.muli %add3A_867, %mul3A_868 : i32
      %multiple_of3A_870 = tpu.assume_multiple %mul3A_869, 8 : i32
      %add3A_871 = arith.addi %multiple_of3A, %multiple_of3A_870 : i32
      %dma_start3A_872 = arith.constant 4 : i32
      %dma_start3A_873 = arith.constant 0 : i32
      %dma_start3A_874 = arith.constant 0 : i32
      %dma_start3A_875 = tpu.memref_slice %arg6[%dma_start3A_872, %dma_start3A_873, %dma_start3A_874] : memref<8x64x128xf32, #tpu.memory_space<vmem>> -> memref<1x64x128xf32, #tpu.memory_space<vmem>>
      %dma_start3A_876 = tpu.memref_squeeze %dma_start3A_875 : memref<1x64x128xf32, #tpu.memory_space<vmem>> -> memref<64x128xf32, #tpu.memory_space<vmem>>
      %dma_start3A_877 = arith.constant 0 : i32
      %dma_start3A_878 = tpu.memref_slice %arg4[%add3A_871, %dma_start3A_877] : memref<409600x128xf32, #tpu.memory_space<hbm>> -> memref<64x128xf32, #tpu.memory_space<hbm>>
      %dma_start3A_879 = arith.constant 0 : i32
      %dma_start3A_880 = tpu.memref_slice %arg4[%add3A_871, %dma_start3A_879] : memref<409600x128xf32, #tpu.memory_space<hbm>> -> memref<64x128xf32, #tpu.memory_space<hbm>>
      %dma_start3A_881 = arith.constant 0 : i32
      %dma_start3A_882 = arith.constant 0 : i32
      %dma_start3A_883 = tpu.memref_slice %arg6[%dma_start3A_872, %dma_start3A_881, %dma_start3A_882] : memref<8x64x128xf32, #tpu.memory_space<vmem>> -> memref<1x64x128xf32, #tpu.memory_space<vmem>>
      %dma_start3A_884 = tpu.memref_squeeze %dma_start3A_883 : memref<1x64x128xf32, #tpu.memory_space<vmem>> -> memref<64x128xf32, #tpu.memory_space<vmem>>
      tpu.enqueue_dma source(%dma_start3A_884 : memref<64x128xf32, #tpu.memory_space<vmem>>) target(%dma_start3A_880 : memref<64x128xf32, #tpu.memory_space<hbm>>) target_semaphore(%arg19 : memref<!tpu.dma_semaphore, #tpu.memory_space<semaphore_mem>>)
      %add3A_885 = arith.constant 5 : i32
      %add3A_886 = arith.addi %mul3A_440, %add3A_885 : i32
      %mul3A_887 = arith.constant 64 : i32
      %mul3A_888 = arith.muli %add3A_886, %mul3A_887 : i32
      %multiple_of3A_889 = tpu.assume_multiple %mul3A_888, 8 : i32
      %dma_wait3A_890 = arith.constant 5 : i32
      %dma_wait3A_891 = arith.constant 0 : i32
      %dma_wait3A_892 = arith.constant 0 : i32
      %dma_wait3A_893 = tpu.memref_slice %arg6[%dma_wait3A_890, %dma_wait3A_891, %dma_wait3A_892] : memref<8x64x128xf32, #tpu.memory_space<vmem>> -> memref<1x64x128xf32, #tpu.memory_space<vmem>>
      %dma_wait3A_894 = tpu.memref_squeeze %dma_wait3A_893 : memref<1x64x128xf32, #tpu.memory_space<vmem>> -> memref<64x128xf32, #tpu.memory_space<vmem>>
      %dma_wait3A_895 = tpu.memref_slice %arg5[%multiple_of3A_889] : memref<12800xi32, #tpu.memory_space<vmem>> -> memref<64xi32, #tpu.memory_space<vmem>>
      %dma_wait3A_896 = arith.constant 0 : i32
      %dma_wait3A_897 = arith.constant 0 : i32
      %dma_wait3A_898 = tpu.memref_slice %arg3[%dma_wait3A_896, %dma_wait3A_897] : memref<100000x128xf32, #tpu.memory_space<hbm>> -> memref<100000x128xf32, #tpu.memory_space<hbm>>
      tpu.wait_indirect_dma semaphore(%arg12 : memref<!tpu.dma_semaphore, #tpu.memory_space<semaphore_mem>>) src(%dma_wait3A_898 : memref<100000x128xf32, #tpu.memory_space<hbm>>) dst(%dma_wait3A_894 : memref<64x128xf32, #tpu.memory_space<vmem>>)
      %add3A_899 = arith.constant 5 : i32
      %add3A_900 = arith.addi %mul3A_440, %add3A_899 : i32
      %mul3A_901 = arith.constant 64 : i32
      %mul3A_902 = arith.muli %add3A_900, %mul3A_901 : i32
      %multiple_of3A_903 = tpu.assume_multiple %mul3A_902, 8 : i32
      %add3A_904 = arith.addi %multiple_of3A, %multiple_of3A_903 : i32
      %dma_start3A_905 = arith.constant 5 : i32
      %dma_start3A_906 = arith.constant 0 : i32
      %dma_start3A_907 = arith.constant 0 : i32
      %dma_start3A_908 = tpu.memref_slice %arg6[%dma_start3A_905, %dma_start3A_906, %dma_start3A_907] : memref<8x64x128xf32, #tpu.memory_space<vmem>> -> memref<1x64x128xf32, #tpu.memory_space<vmem>>
      %dma_start3A_909 = tpu.memref_squeeze %dma_start3A_908 : memref<1x64x128xf32, #tpu.memory_space<vmem>> -> memref<64x128xf32, #tpu.memory_space<vmem>>
      %dma_start3A_910 = arith.constant 0 : i32
      %dma_start3A_911 = tpu.memref_slice %arg4[%add3A_904, %dma_start3A_910] : memref<409600x128xf32, #tpu.memory_space<hbm>> -> memref<64x128xf32, #tpu.memory_space<hbm>>
      %dma_start3A_912 = arith.constant 0 : i32
      %dma_start3A_913 = tpu.memref_slice %arg4[%add3A_904, %dma_start3A_912] : memref<409600x128xf32, #tpu.memory_space<hbm>> -> memref<64x128xf32, #tpu.memory_space<hbm>>
      %dma_start3A_914 = arith.constant 0 : i32
      %dma_start3A_915 = arith.constant 0 : i32
      %dma_start3A_916 = tpu.memref_slice %arg6[%dma_start3A_905, %dma_start3A_914, %dma_start3A_915] : memref<8x64x128xf32, #tpu.memory_space<vmem>> -> memref<1x64x128xf32, #tpu.memory_space<vmem>>
      %dma_start3A_917 = tpu.memref_squeeze %dma_start3A_916 : memref<1x64x128xf32, #tpu.memory_space<vmem>> -> memref<64x128xf32, #tpu.memory_space<vmem>>
      tpu.enqueue_dma source(%dma_start3A_917 : memref<64x128xf32, #tpu.memory_space<vmem>>) target(%dma_start3A_913 : memref<64x128xf32, #tpu.memory_space<hbm>>) target_semaphore(%arg20 : memref<!tpu.dma_semaphore, #tpu.memory_space<semaphore_mem>>)
      %add3A_918 = arith.constant 6 : i32
      %add3A_919 = arith.addi %mul3A_440, %add3A_918 : i32
      %mul3A_920 = arith.constant 64 : i32
      %mul3A_921 = arith.muli %add3A_919, %mul3A_920 : i32
      %multiple_of3A_922 = tpu.assume_multiple %mul3A_921, 8 : i32
      %dma_wait3A_923 = arith.constant 6 : i32
      %dma_wait3A_924 = arith.constant 0 : i32
      %dma_wait3A_925 = arith.constant 0 : i32
      %dma_wait3A_926 = tpu.memref_slice %arg6[%dma_wait3A_923, %dma_wait3A_924, %dma_wait3A_925] : memref<8x64x128xf32, #tpu.memory_space<vmem>> -> memref<1x64x128xf32, #tpu.memory_space<vmem>>
      %dma_wait3A_927 = tpu.memref_squeeze %dma_wait3A_926 : memref<1x64x128xf32, #tpu.memory_space<vmem>> -> memref<64x128xf32, #tpu.memory_space<vmem>>
      %dma_wait3A_928 = tpu.memref_slice %arg5[%multiple_of3A_922] : memref<12800xi32, #tpu.memory_space<vmem>> -> memref<64xi32, #tpu.memory_space<vmem>>
      %dma_wait3A_929 = arith.constant 0 : i32
      %dma_wait3A_930 = arith.constant 0 : i32
      %dma_wait3A_931 = tpu.memref_slice %arg3[%dma_wait3A_929, %dma_wait3A_930] : memref<100000x128xf32, #tpu.memory_space<hbm>> -> memref<100000x128xf32, #tpu.memory_space<hbm>>
      tpu.wait_indirect_dma semaphore(%arg13 : memref<!tpu.dma_semaphore, #tpu.memory_space<semaphore_mem>>) src(%dma_wait3A_931 : memref<100000x128xf32, #tpu.memory_space<hbm>>) dst(%dma_wait3A_927 : memref<64x128xf32, #tpu.memory_space<vmem>>)
      %add3A_932 = arith.constant 6 : i32
      %add3A_933 = arith.addi %mul3A_440, %add3A_932 : i32
      %mul3A_934 = arith.constant 64 : i32
      %mul3A_935 = arith.muli %add3A_933, %mul3A_934 : i32
      %multiple_of3A_936 = tpu.assume_multiple %mul3A_935, 8 : i32
      %add3A_937 = arith.addi %multiple_of3A, %multiple_of3A_936 : i32
      %dma_start3A_938 = arith.constant 6 : i32
      %dma_start3A_939 = arith.constant 0 : i32
      %dma_start3A_940 = arith.constant 0 : i32
      %dma_start3A_941 = tpu.memref_slice %arg6[%dma_start3A_938, %dma_start3A_939, %dma_start3A_940] : memref<8x64x128xf32, #tpu.memory_space<vmem>> -> memref<1x64x128xf32, #tpu.memory_space<vmem>>
      %dma_start3A_942 = tpu.memref_squeeze %dma_start3A_941 : memref<1x64x128xf32, #tpu.memory_space<vmem>> -> memref<64x128xf32, #tpu.memory_space<vmem>>
      %dma_start3A_943 = arith.constant 0 : i32
      %dma_start3A_944 = tpu.memref_slice %arg4[%add3A_937, %dma_start3A_943] : memref<409600x128xf32, #tpu.memory_space<hbm>> -> memref<64x128xf32, #tpu.memory_space<hbm>>
      %dma_start3A_945 = arith.constant 0 : i32
      %dma_start3A_946 = tpu.memref_slice %arg4[%add3A_937, %dma_start3A_945] : memref<409600x128xf32, #tpu.memory_space<hbm>> -> memref<64x128xf32, #tpu.memory_space<hbm>>
      %dma_start3A_947 = arith.constant 0 : i32
      %dma_start3A_948 = arith.constant 0 : i32
      %dma_start3A_949 = tpu.memref_slice %arg6[%dma_start3A_938, %dma_start3A_947, %dma_start3A_948] : memref<8x64x128xf32, #tpu.memory_space<vmem>> -> memref<1x64x128xf32, #tpu.memory_space<vmem>>
      %dma_start3A_950 = tpu.memref_squeeze %dma_start3A_949 : memref<1x64x128xf32, #tpu.memory_space<vmem>> -> memref<64x128xf32, #tpu.memory_space<vmem>>
      tpu.enqueue_dma source(%dma_start3A_950 : memref<64x128xf32, #tpu.memory_space<vmem>>) target(%dma_start3A_946 : memref<64x128xf32, #tpu.memory_space<hbm>>) target_semaphore(%arg21 : memref<!tpu.dma_semaphore, #tpu.memory_space<semaphore_mem>>)
      %add3A_951 = arith.constant 7 : i32
      %add3A_952 = arith.addi %mul3A_440, %add3A_951 : i32
      %mul3A_953 = arith.constant 64 : i32
      %mul3A_954 = arith.muli %add3A_952, %mul3A_953 : i32
      %multiple_of3A_955 = tpu.assume_multiple %mul3A_954, 8 : i32
      %dma_wait3A_956 = arith.constant 7 : i32
      %dma_wait3A_957 = arith.constant 0 : i32
      %dma_wait3A_958 = arith.constant 0 : i32
      %dma_wait3A_959 = tpu.memref_slice %arg6[%dma_wait3A_956, %dma_wait3A_957, %dma_wait3A_958] : memref<8x64x128xf32, #tpu.memory_space<vmem>> -> memref<1x64x128xf32, #tpu.memory_space<vmem>>
      %dma_wait3A_960 = tpu.memref_squeeze %dma_wait3A_959 : memref<1x64x128xf32, #tpu.memory_space<vmem>> -> memref<64x128xf32, #tpu.memory_space<vmem>>
      %dma_wait3A_961 = tpu.memref_slice %arg5[%multiple_of3A_955] : memref<12800xi32, #tpu.memory_space<vmem>> -> memref<64xi32, #tpu.memory_space<vmem>>
      %dma_wait3A_962 = arith.constant 0 : i32
      %dma_wait3A_963 = arith.constant 0 : i32
      %dma_wait3A_964 = tpu.memref_slice %arg3[%dma_wait3A_962, %dma_wait3A_963] : memref<100000x128xf32, #tpu.memory_space<hbm>> -> memref<100000x128xf32, #tpu.memory_space<hbm>>
      tpu.wait_indirect_dma semaphore(%arg14 : memref<!tpu.dma_semaphore, #tpu.memory_space<semaphore_mem>>) src(%dma_wait3A_964 : memref<100000x128xf32, #tpu.memory_space<hbm>>) dst(%dma_wait3A_960 : memref<64x128xf32, #tpu.memory_space<vmem>>)
      %add3A_965 = arith.constant 7 : i32
      %add3A_966 = arith.addi %mul3A_440, %add3A_965 : i32
      %mul3A_967 = arith.constant 64 : i32
      %mul3A_968 = arith.muli %add3A_966, %mul3A_967 : i32
      %multiple_of3A_969 = tpu.assume_multiple %mul3A_968, 8 : i32
      %add3A_970 = arith.addi %multiple_of3A, %multiple_of3A_969 : i32
      %dma_start3A_971 = arith.constant 7 : i32
      %dma_start3A_972 = arith.constant 0 : i32
      %dma_start3A_973 = arith.constant 0 : i32
      %dma_start3A_974 = tpu.memref_slice %arg6[%dma_start3A_971, %dma_start3A_972, %dma_start3A_973] : memref<8x64x128xf32, #tpu.memory_space<vmem>> -> memref<1x64x128xf32, #tpu.memory_space<vmem>>
      %dma_start3A_975 = tpu.memref_squeeze %dma_start3A_974 : memref<1x64x128xf32, #tpu.memory_space<vmem>> -> memref<64x128xf32, #tpu.memory_space<vmem>>
      %dma_start3A_976 = arith.constant 0 : i32
      %dma_start3A_977 = tpu.memref_slice %arg4[%add3A_970, %dma_start3A_976] : memref<409600x128xf32, #tpu.memory_space<hbm>> -> memref<64x128xf32, #tpu.memory_space<hbm>>
      %dma_start3A_978 = arith.constant 0 : i32
      %dma_start3A_979 = tpu.memref_slice %arg4[%add3A_970, %dma_start3A_978] : memref<409600x128xf32, #tpu.memory_space<hbm>> -> memref<64x128xf32, #tpu.memory_space<hbm>>
      %dma_start3A_980 = arith.constant 0 : i32
      %dma_start3A_981 = arith.constant 0 : i32
      %dma_start3A_982 = tpu.memref_slice %arg6[%dma_start3A_971, %dma_start3A_980, %dma_start3A_981] : memref<8x64x128xf32, #tpu.memory_space<vmem>> -> memref<1x64x128xf32, #tpu.memory_space<vmem>>
      %dma_start3A_983 = tpu.memref_squeeze %dma_start3A_982 : memref<1x64x128xf32, #tpu.memory_space<vmem>> -> memref<64x128xf32, #tpu.memory_space<vmem>>
      tpu.enqueue_dma source(%dma_start3A_983 : memref<64x128xf32, #tpu.memory_space<vmem>>) target(%dma_start3A_979 : memref<64x128xf32, #tpu.memory_space<hbm>>) target_semaphore(%arg22 : memref<!tpu.dma_semaphore, #tpu.memory_space<semaphore_mem>>)
    }
    %scan3A_309 = arith.constant 24 : i32
    %multiple_of3A_310 = arith.constant 12288 : i32
    %multiple_of3A_311 = tpu.assume_multiple %multiple_of3A_310, 8 : i32
    %add3A_312 = arith.addi %multiple_of3A, %multiple_of3A_311 : i32
    %dma_wait3A_313 = arith.constant 0 : i32
    %dma_wait3A_314 = arith.constant 0 : i32
    %dma_wait3A_315 = arith.constant 0 : i32
    %dma_wait3A_316 = tpu.memref_slice %arg6[%dma_wait3A_313, %dma_wait3A_314, %dma_wait3A_315] : memref<8x64x128xf32, #tpu.memory_space<vmem>> -> memref<1x64x128xf32, #tpu.memory_space<vmem>>
    %dma_wait3A_317 = tpu.memref_squeeze %dma_wait3A_316 : memref<1x64x128xf32, #tpu.memory_space<vmem>> -> memref<64x128xf32, #tpu.memory_space<vmem>>
    %dma_wait3A_318 = arith.constant 0 : i32
    %dma_wait3A_319 = tpu.memref_slice %arg4[%add3A_312, %dma_wait3A_318] : memref<409600x128xf32, #tpu.memory_space<hbm>> -> memref<64x128xf32, #tpu.memory_space<hbm>>
    %dma_wait3A_320 = arith.constant 0 : i32
    %dma_wait3A_321 = tpu.memref_slice %arg4[%add3A_312, %dma_wait3A_320] : memref<409600x128xf32, #tpu.memory_space<hbm>> -> memref<64x128xf32, #tpu.memory_space<hbm>>
    %dma_wait3A_322 = arith.constant 0 : i32
    %dma_wait3A_323 = arith.constant 0 : i32
    %dma_wait3A_324 = tpu.memref_slice %arg6[%dma_wait3A_313, %dma_wait3A_322, %dma_wait3A_323] : memref<8x64x128xf32, #tpu.memory_space<vmem>> -> memref<1x64x128xf32, #tpu.memory_space<vmem>>
    %dma_wait3A_325 = tpu.memref_squeeze %dma_wait3A_324 : memref<1x64x128xf32, #tpu.memory_space<vmem>> -> memref<64x128xf32, #tpu.memory_space<vmem>>
    tpu.wait_dma2 semaphore(%arg15 : memref<!tpu.dma_semaphore, #tpu.memory_space<semaphore_mem>>) src(%dma_wait3A_325 : memref<64x128xf32, #tpu.memory_space<vmem>>) dst(%dma_wait3A_321 : memref<64x128xf32, #tpu.memory_space<hbm>>)
    %multiple_of3A_326 = arith.constant 12352 : i32
    %multiple_of3A_327 = tpu.assume_multiple %multiple_of3A_326, 8 : i32
    %add3A_328 = arith.addi %multiple_of3A, %multiple_of3A_327 : i32
    %dma_wait3A_329 = arith.constant 1 : i32
    %dma_wait3A_330 = arith.constant 0 : i32
    %dma_wait3A_331 = arith.constant 0 : i32
    %dma_wait3A_332 = tpu.memref_slice %arg6[%dma_wait3A_329, %dma_wait3A_330, %dma_wait3A_331] : memref<8x64x128xf32, #tpu.memory_space<vmem>> -> memref<1x64x128xf32, #tpu.memory_space<vmem>>
    %dma_wait3A_333 = tpu.memref_squeeze %dma_wait3A_332 : memref<1x64x128xf32, #tpu.memory_space<vmem>> -> memref<64x128xf32, #tpu.memory_space<vmem>>
    %dma_wait3A_334 = arith.constant 0 : i32
    %dma_wait3A_335 = tpu.memref_slice %arg4[%add3A_328, %dma_wait3A_334] : memref<409600x128xf32, #tpu.memory_space<hbm>> -> memref<64x128xf32, #tpu.memory_space<hbm>>
    %dma_wait3A_336 = arith.constant 0 : i32
    %dma_wait3A_337 = tpu.memref_slice %arg4[%add3A_328, %dma_wait3A_336] : memref<409600x128xf32, #tpu.memory_space<hbm>> -> memref<64x128xf32, #tpu.memory_space<hbm>>
    %dma_wait3A_338 = arith.constant 0 : i32
    %dma_wait3A_339 = arith.constant 0 : i32
    %dma_wait3A_340 = tpu.memref_slice %arg6[%dma_wait3A_329, %dma_wait3A_338, %dma_wait3A_339] : memref<8x64x128xf32, #tpu.memory_space<vmem>> -> memref<1x64x128xf32, #tpu.memory_space<vmem>>
    %dma_wait3A_341 = tpu.memref_squeeze %dma_wait3A_340 : memref<1x64x128xf32, #tpu.memory_space<vmem>> -> memref<64x128xf32, #tpu.memory_space<vmem>>
    tpu.wait_dma2 semaphore(%arg16 : memref<!tpu.dma_semaphore, #tpu.memory_space<semaphore_mem>>) src(%dma_wait3A_341 : memref<64x128xf32, #tpu.memory_space<vmem>>) dst(%dma_wait3A_337 : memref<64x128xf32, #tpu.memory_space<hbm>>)
    %multiple_of3A_342 = arith.constant 12416 : i32
    %multiple_of3A_343 = tpu.assume_multiple %multiple_of3A_342, 8 : i32
    %add3A_344 = arith.addi %multiple_of3A, %multiple_of3A_343 : i32
    %dma_wait3A_345 = arith.constant 2 : i32
    %dma_wait3A_346 = arith.constant 0 : i32
    %dma_wait3A_347 = arith.constant 0 : i32
    %dma_wait3A_348 = tpu.memref_slice %arg6[%dma_wait3A_345, %dma_wait3A_346, %dma_wait3A_347] : memref<8x64x128xf32, #tpu.memory_space<vmem>> -> memref<1x64x128xf32, #tpu.memory_space<vmem>>
    %dma_wait3A_349 = tpu.memref_squeeze %dma_wait3A_348 : memref<1x64x128xf32, #tpu.memory_space<vmem>> -> memref<64x128xf32, #tpu.memory_space<vmem>>
    %dma_wait3A_350 = arith.constant 0 : i32
    %dma_wait3A_351 = tpu.memref_slice %arg4[%add3A_344, %dma_wait3A_350] : memref<409600x128xf32, #tpu.memory_space<hbm>> -> memref<64x128xf32, #tpu.memory_space<hbm>>
    %dma_wait3A_352 = arith.constant 0 : i32
    %dma_wait3A_353 = tpu.memref_slice %arg4[%add3A_344, %dma_wait3A_352] : memref<409600x128xf32, #tpu.memory_space<hbm>> -> memref<64x128xf32, #tpu.memory_space<hbm>>
    %dma_wait3A_354 = arith.constant 0 : i32
    %dma_wait3A_355 = arith.constant 0 : i32
    %dma_wait3A_356 = tpu.memref_slice %arg6[%dma_wait3A_345, %dma_wait3A_354, %dma_wait3A_355] : memref<8x64x128xf32, #tpu.memory_space<vmem>> -> memref<1x64x128xf32, #tpu.memory_space<vmem>>
    %dma_wait3A_357 = tpu.memref_squeeze %dma_wait3A_356 : memref<1x64x128xf32, #tpu.memory_space<vmem>> -> memref<64x128xf32, #tpu.memory_space<vmem>>
    tpu.wait_dma2 semaphore(%arg17 : memref<!tpu.dma_semaphore, #tpu.memory_space<semaphore_mem>>) src(%dma_wait3A_357 : memref<64x128xf32, #tpu.memory_space<vmem>>) dst(%dma_wait3A_353 : memref<64x128xf32, #tpu.memory_space<hbm>>)
    %multiple_of3A_358 = arith.constant 12480 : i32
    %multiple_of3A_359 = tpu.assume_multiple %multiple_of3A_358, 8 : i32
    %add3A_360 = arith.addi %multiple_of3A, %multiple_of3A_359 : i32
    %dma_wait3A_361 = arith.constant 3 : i32
    %dma_wait3A_362 = arith.constant 0 : i32
    %dma_wait3A_363 = arith.constant 0 : i32
    %dma_wait3A_364 = tpu.memref_slice %arg6[%dma_wait3A_361, %dma_wait3A_362, %dma_wait3A_363] : memref<8x64x128xf32, #tpu.memory_space<vmem>> -> memref<1x64x128xf32, #tpu.memory_space<vmem>>
    %dma_wait3A_365 = tpu.memref_squeeze %dma_wait3A_364 : memref<1x64x128xf32, #tpu.memory_space<vmem>> -> memref<64x128xf32, #tpu.memory_space<vmem>>
    %dma_wait3A_366 = arith.constant 0 : i32
    %dma_wait3A_367 = tpu.memref_slice %arg4[%add3A_360, %dma_wait3A_366] : memref<409600x128xf32, #tpu.memory_space<hbm>> -> memref<64x128xf32, #tpu.memory_space<hbm>>
    %dma_wait3A_368 = arith.constant 0 : i32
    %dma_wait3A_369 = tpu.memref_slice %arg4[%add3A_360, %dma_wait3A_368] : memref<409600x128xf32, #tpu.memory_space<hbm>> -> memref<64x128xf32, #tpu.memory_space<hbm>>
    %dma_wait3A_370 = arith.constant 0 : i32
    %dma_wait3A_371 = arith.constant 0 : i32
    %dma_wait3A_372 = tpu.memref_slice %arg6[%dma_wait3A_361, %dma_wait3A_370, %dma_wait3A_371] : memref<8x64x128xf32, #tpu.memory_space<vmem>> -> memref<1x64x128xf32, #tpu.memory_space<vmem>>
    %dma_wait3A_373 = tpu.memref_squeeze %dma_wait3A_372 : memref<1x64x128xf32, #tpu.memory_space<vmem>> -> memref<64x128xf32, #tpu.memory_space<vmem>>
    tpu.wait_dma2 semaphore(%arg18 : memref<!tpu.dma_semaphore, #tpu.memory_space<semaphore_mem>>) src(%dma_wait3A_373 : memref<64x128xf32, #tpu.memory_space<vmem>>) dst(%dma_wait3A_369 : memref<64x128xf32, #tpu.memory_space<hbm>>)
    %multiple_of3A_374 = arith.constant 12544 : i32
    %multiple_of3A_375 = tpu.assume_multiple %multiple_of3A_374, 8 : i32
    %add3A_376 = arith.addi %multiple_of3A, %multiple_of3A_375 : i32
    %dma_wait3A_377 = arith.constant 4 : i32
    %dma_wait3A_378 = arith.constant 0 : i32
    %dma_wait3A_379 = arith.constant 0 : i32
    %dma_wait3A_380 = tpu.memref_slice %arg6[%dma_wait3A_377, %dma_wait3A_378, %dma_wait3A_379] : memref<8x64x128xf32, #tpu.memory_space<vmem>> -> memref<1x64x128xf32, #tpu.memory_space<vmem>>
    %dma_wait3A_381 = tpu.memref_squeeze %dma_wait3A_380 : memref<1x64x128xf32, #tpu.memory_space<vmem>> -> memref<64x128xf32, #tpu.memory_space<vmem>>
    %dma_wait3A_382 = arith.constant 0 : i32
    %dma_wait3A_383 = tpu.memref_slice %arg4[%add3A_376, %dma_wait3A_382] : memref<409600x128xf32, #tpu.memory_space<hbm>> -> memref<64x128xf32, #tpu.memory_space<hbm>>
    %dma_wait3A_384 = arith.constant 0 : i32
    %dma_wait3A_385 = tpu.memref_slice %arg4[%add3A_376, %dma_wait3A_384] : memref<409600x128xf32, #tpu.memory_space<hbm>> -> memref<64x128xf32, #tpu.memory_space<hbm>>
    %dma_wait3A_386 = arith.constant 0 : i32
    %dma_wait3A_387 = arith.constant 0 : i32
    %dma_wait3A_388 = tpu.memref_slice %arg6[%dma_wait3A_377, %dma_wait3A_386, %dma_wait3A_387] : memref<8x64x128xf32, #tpu.memory_space<vmem>> -> memref<1x64x128xf32, #tpu.memory_space<vmem>>
    %dma_wait3A_389 = tpu.memref_squeeze %dma_wait3A_388 : memref<1x64x128xf32, #tpu.memory_space<vmem>> -> memref<64x128xf32, #tpu.memory_space<vmem>>
    tpu.wait_dma2 semaphore(%arg19 : memref<!tpu.dma_semaphore, #tpu.memory_space<semaphore_mem>>) src(%dma_wait3A_389 : memref<64x128xf32, #tpu.memory_space<vmem>>) dst(%dma_wait3A_385 : memref<64x128xf32, #tpu.memory_space<hbm>>)
    %multiple_of3A_390 = arith.constant 12608 : i32
    %multiple_of3A_391 = tpu.assume_multiple %multiple_of3A_390, 8 : i32
    %add3A_392 = arith.addi %multiple_of3A, %multiple_of3A_391 : i32
    %dma_wait3A_393 = arith.constant 5 : i32
    %dma_wait3A_394 = arith.constant 0 : i32
    %dma_wait3A_395 = arith.constant 0 : i32
    %dma_wait3A_396 = tpu.memref_slice %arg6[%dma_wait3A_393, %dma_wait3A_394, %dma_wait3A_395] : memref<8x64x128xf32, #tpu.memory_space<vmem>> -> memref<1x64x128xf32, #tpu.memory_space<vmem>>
    %dma_wait3A_397 = tpu.memref_squeeze %dma_wait3A_396 : memref<1x64x128xf32, #tpu.memory_space<vmem>> -> memref<64x128xf32, #tpu.memory_space<vmem>>
    %dma_wait3A_398 = arith.constant 0 : i32
    %dma_wait3A_399 = tpu.memref_slice %arg4[%add3A_392, %dma_wait3A_398] : memref<409600x128xf32, #tpu.memory_space<hbm>> -> memref<64x128xf32, #tpu.memory_space<hbm>>
    %dma_wait3A_400 = arith.constant 0 : i32
    %dma_wait3A_401 = tpu.memref_slice %arg4[%add3A_392, %dma_wait3A_400] : memref<409600x128xf32, #tpu.memory_space<hbm>> -> memref<64x128xf32, #tpu.memory_space<hbm>>
    %dma_wait3A_402 = arith.constant 0 : i32
    %dma_wait3A_403 = arith.constant 0 : i32
    %dma_wait3A_404 = tpu.memref_slice %arg6[%dma_wait3A_393, %dma_wait3A_402, %dma_wait3A_403] : memref<8x64x128xf32, #tpu.memory_space<vmem>> -> memref<1x64x128xf32, #tpu.memory_space<vmem>>
    %dma_wait3A_405 = tpu.memref_squeeze %dma_wait3A_404 : memref<1x64x128xf32, #tpu.memory_space<vmem>> -> memref<64x128xf32, #tpu.memory_space<vmem>>
    tpu.wait_dma2 semaphore(%arg20 : memref<!tpu.dma_semaphore, #tpu.memory_space<semaphore_mem>>) src(%dma_wait3A_405 : memref<64x128xf32, #tpu.memory_space<vmem>>) dst(%dma_wait3A_401 : memref<64x128xf32, #tpu.memory_space<hbm>>)
    %multiple_of3A_406 = arith.constant 12672 : i32
    %multiple_of3A_407 = tpu.assume_multiple %multiple_of3A_406, 8 : i32
    %add3A_408 = arith.addi %multiple_of3A, %multiple_of3A_407 : i32
    %dma_wait3A_409 = arith.constant 6 : i32
    %dma_wait3A_410 = arith.constant 0 : i32
    %dma_wait3A_411 = arith.constant 0 : i32
    %dma_wait3A_412 = tpu.memref_slice %arg6[%dma_wait3A_409, %dma_wait3A_410, %dma_wait3A_411] : memref<8x64x128xf32, #tpu.memory_space<vmem>> -> memref<1x64x128xf32, #tpu.memory_space<vmem>>
    %dma_wait3A_413 = tpu.memref_squeeze %dma_wait3A_412 : memref<1x64x128xf32, #tpu.memory_space<vmem>> -> memref<64x128xf32, #tpu.memory_space<vmem>>
    %dma_wait3A_414 = arith.constant 0 : i32
    %dma_wait3A_415 = tpu.memref_slice %arg4[%add3A_408, %dma_wait3A_414] : memref<409600x128xf32, #tpu.memory_space<hbm>> -> memref<64x128xf32, #tpu.memory_space<hbm>>
    %dma_wait3A_416 = arith.constant 0 : i32
    %dma_wait3A_417 = tpu.memref_slice %arg4[%add3A_408, %dma_wait3A_416] : memref<409600x128xf32, #tpu.memory_space<hbm>> -> memref<64x128xf32, #tpu.memory_space<hbm>>
    %dma_wait3A_418 = arith.constant 0 : i32
    %dma_wait3A_419 = arith.constant 0 : i32
    %dma_wait3A_420 = tpu.memref_slice %arg6[%dma_wait3A_409, %dma_wait3A_418, %dma_wait3A_419] : memref<8x64x128xf32, #tpu.memory_space<vmem>> -> memref<1x64x128xf32, #tpu.memory_space<vmem>>
    %dma_wait3A_421 = tpu.memref_squeeze %dma_wait3A_420 : memref<1x64x128xf32, #tpu.memory_space<vmem>> -> memref<64x128xf32, #tpu.memory_space<vmem>>
    tpu.wait_dma2 semaphore(%arg21 : memref<!tpu.dma_semaphore, #tpu.memory_space<semaphore_mem>>) src(%dma_wait3A_421 : memref<64x128xf32, #tpu.memory_space<vmem>>) dst(%dma_wait3A_417 : memref<64x128xf32, #tpu.memory_space<hbm>>)
    %multiple_of3A_422 = arith.constant 12736 : i32
    %multiple_of3A_423 = tpu.assume_multiple %multiple_of3A_422, 8 : i32
    %add3A_424 = arith.addi %multiple_of3A, %multiple_of3A_423 : i32
    %dma_wait3A_425 = arith.constant 7 : i32
    %dma_wait3A_426 = arith.constant 0 : i32
    %dma_wait3A_427 = arith.constant 0 : i32
    %dma_wait3A_428 = tpu.memref_slice %arg6[%dma_wait3A_425, %dma_wait3A_426, %dma_wait3A_427] : memref<8x64x128xf32, #tpu.memory_space<vmem>> -> memref<1x64x128xf32, #tpu.memory_space<vmem>>
    %dma_wait3A_429 = tpu.memref_squeeze %dma_wait3A_428 : memref<1x64x128xf32, #tpu.memory_space<vmem>> -> memref<64x128xf32, #tpu.memory_space<vmem>>
    %dma_wait3A_430 = arith.constant 0 : i32
    %dma_wait3A_431 = tpu.memref_slice %arg4[%add3A_424, %dma_wait3A_430] : memref<409600x128xf32, #tpu.memory_space<hbm>> -> memref<64x128xf32, #tpu.memory_space<hbm>>
    %dma_wait3A_432 = arith.constant 0 : i32
    %dma_wait3A_433 = tpu.memref_slice %arg4[%add3A_424, %dma_wait3A_432] : memref<409600x128xf32, #tpu.memory_space<hbm>> -> memref<64x128xf32, #tpu.memory_space<hbm>>
    %dma_wait3A_434 = arith.constant 0 : i32
    %dma_wait3A_435 = arith.constant 0 : i32
    %dma_wait3A_436 = tpu.memref_slice %arg6[%dma_wait3A_425, %dma_wait3A_434, %dma_wait3A_435] : memref<8x64x128xf32, #tpu.memory_space<vmem>> -> memref<1x64x128xf32, #tpu.memory_space<vmem>>
    %dma_wait3A_437 = tpu.memref_squeeze %dma_wait3A_436 : memref<1x64x128xf32, #tpu.memory_space<vmem>> -> memref<64x128xf32, #tpu.memory_space<vmem>>
    tpu.wait_dma2 semaphore(%arg22 : memref<!tpu.dma_semaphore, #tpu.memory_space<semaphore_mem>>) src(%dma_wait3A_437 : memref<64x128xf32, #tpu.memory_space<vmem>>) dst(%dma_wait3A_433 : memref<64x128xf32, #tpu.memory_space<hbm>>)
    return
  }
}

</mosaic_0001>

<sc_bundles>
// kernel: kernel.3.cloned.1.call-start
scs
__scs_entry_jumppad:
0x0: {  	(pc) =	sbr.rel $0x88, $3  }
0x1: {  	(tag) =	ssettag $0x0;
	lr =	simm.s32 $0x1  }
0x2: {  	[smem:$0x3F9E] =	sst lr;
	_ =	strace $0xD0000000  }
0x3: {  	_ = 	snop  }
0x4: {  	_ = 	snop  }
0x5: {  	_ = 	snop  }
0x6: {  	_ = 	snop  }
0x7: {  	_ = 	snop  }
__scs_overlays_trampoline_lowered:
0x8: {  	[smem:$0x3FAD] =	sst s0  }
0x9: {  	[smem:$0x3FAE] =	sst s1  }
0xa: {  	[smem:$0x3FAF] =	sst s2  }
0xb: {  	[smem:$0x3FB0] =	sst s3  }
0xc: {  	[smem:$0x3FB1] =	sst s4  }
0xd: {  	[smem:$0x3FB2] =	sst s5  }
0xe: {  	[smem:$0x3FB3] =	sst s6  }
0xf: {  	[smem:$0x3FB4] =	sst s7  }
0x10: {  	[smem:$0x3FB5] =	sst s8  }
0x11: {  	[smem:$0x3FB6] =	sst s9;
	s0 =	simm.s32 @!p0 $0x0  }
0x12: {  	s1 =	sld [smem:$0x3F9C];
	s0 =	simm.s32 @p0 $0x1  }
0x13: {  	[smem:$0x3FB7] =	sst s0;
	s0 =	simm.s32 @!p1 $0x0  }
0x14: {  	s2 =	sld [smem:$0x3F9B];
	s0 =	simm.s32 @p1 $0x1  }
0x15: {  	[smem:$0x3FB8] =	sst s0;
	s0 =	simm.s32 @!p2 $0x0  }
0x16: {  	s3 =	sld [smem:$0x3FDB];
	s0 =	simm.s32 @p2 $0x1  }
0x17: {  	s4 =	simm.s32 $0x1BF5;
	[smem:$0x3FBA] =	sst s0  }
0x18: {  	s0 =	sld [smem:$0x3F9D];
	_ =	swait.ge [sflag:s4], $0x0  }
0x19: {  	s7 =	sld [smem:$0x3F9E]  }
0x1a: {  	s8 =	sadd.s32 $0xFFFFE003, lr  }
0x1b: {  	s9 =	sadd.s32 $0xFFFFFEF7, lr;
	s5 =	simm.s32 $0xFFFFFFFF;
	p2 =	slt.u32 s8, $0xFFFFF086  }
0x1c: {  	p1 =	slt.u32 s9, $0xF7A;
	s5 =	simm.s32 @!p2 $0x0  }
0x1d: {  	s5 =	simm.s32 @p1 $0x1;
	p0 =	seq.s32 s7, s2  }
0x1e: {  	s7 =	smul.u32 @!p0 $0xF7A, s2;
	p2 =	seq.s32 @!p0 s5, $0x0  }
0x1f: {  	s9 =	smul.u32 $0xF7A, s1;
	s8 =	simm.s32 @!p0 $0x1BF5;
	p2 =	por !p2, p0  }
0x20: {  	[sflag:s8] =	ssyncset.s32 @!p0 $0xFFFFF086;
	s6 =	sadd.s32 @!p0 s3, s7;
	s7 =	simm.s32 @!p0 $0x108  }
0x21: {  	s3 =	sadd.s32 s3, s9;
	s6 =	sadd.s32 @!p0 $0x88, s6;
	s7 =	simm.s32 @p2 $0x1082  }
0x22: {  	[simem:s7], [sflag:s8] =	dma.local @!p0 [hbm:s6], $0xF7A  }
0x23: {  	s9 =	sor.u32 $0xD0000000, s2;
	s6 =	simm.s32 $0x108;
	_ =	swait.ge @!p0 [sflag:s8], $0x0  }
0x24: {  	s3 =	sadd.s32 $0x88, s3;
	s6 =	simm.s32 @!p1 $0x1082;
	[sflag:s4] =	ssyncset.s32 $0xFFFFF086  }
0x25: {  	[simem:s6], [sflag:s4] =	dma.local [hbm:s3], $0xF7A  }
0x26: {  	[smem:$0x3F9E] =	sst s1;
	(tag) =	ssettag s2;
	_ =	strace s9  }
0x27: {  	s1 =	sld [smem:$0x3FAE]  }
0x28: {  	s2 =	sld [smem:$0x3FAF]  }
0x29: {  	s4 =	sld [smem:$0x3FB1]  }
0x2a: {  	p0 =	seq.s32 s5, $0x0;
	s5 =	sld [smem:$0x3FB2]  }
0x2b: {  	s6 =	sld [smem:$0x3FB3]  }
0x2c: {  	s7 =	sld [smem:$0x3FB4]  }
0x2d: {  	s3 =	simm.s32 $0x108;
	s8 =	sld [smem:$0x3FB5]  }
0x2e: {  	s3 =	simm.s32 @!p0 $0x1082;
	s9 =	sld [smem:$0x3FB6]  }
0x2f: {  	lr =	sadd.s32 s0, s3;
	s0 =	sld [smem:$0x3FAD]  }
0x30: {  	s3 =	sld [smem:$0x3FB0]  }
0x31: {  	[smem:$0x3FB9] =	sst s10  }
0x32: {  	s10 =	sld [smem:$0x3FB7];
	_ =	sdelay $0x3  }
0x33: {  	p0 =	seq.s32 s10, $0x1;
	s10 =	sld [smem:$0x3FB9];
	_ =	sdelay $0x3  }
0x34: {  	[smem:$0x3FB9] =	sst s10  }
0x35: {  	s10 =	sld [smem:$0x3FB8];
	_ =	sdelay $0x3  }
0x36: {  	p1 =	seq.s32 s10, $0x1;
	s10 =	sld [smem:$0x3FB9];
	_ =	sdelay $0x3  }
0x37: {  	[smem:$0x3FB9] =	sst s10  }
0x38: {  	s10 =	sld [smem:$0x3FBA]  }
0x39: {  	_ = 	snop;
	(pc) =	sbr.ind lr, $3  }
0x3a: {  	_ = 	snop  }
0x3b: {  	_ = 	snop  }
0x3c: {  	p2 =	seq.s32 s10, $0x1;
	s10 =	sld [smem:$0x3FB9]  }
0x3d: {  	_ =	shalt  }
0x3e: {  	_ =	shalt  }
0x3f: {  	_ =	shalt  }
0x40: {  	_ =	shalt  }
0x41: {  	_ =	shalt  }
0x42: {  	_ =	shalt  }
0x43: {  	_ =	shalt  }
0x44: {  	_ =	shalt  }
0x45: {  	_ =	shalt  }
0x46: {  	_ =	shalt  }
0x47: {  	_ =	shalt  }
0x48: {  	_ =	shalt  }
0x49: {  	_ =	shalt  }
0x4a: {  	_ =	shalt  }
0x4b: {  	_ =	shalt  }
0x4c: {  	_ =	shalt  }
0x4d: {  	_ =	shalt  }
0x4e: {  	_ =	shalt  }
0x4f: {  	_ =	shalt  }
0x50: {  	_ =	shalt  }
0x51: {  	_ =	shalt  }
0x52: {  	_ =	shalt  }
0x53: {  	_ =	shalt  }
0x54: {  	_ =	shalt  }
0x55: {  	_ =	shalt  }
0x56: {  	_ =	shalt  }
0x57: {  	_ =	shalt  }
0x58: {  	_ =	shalt  }
0x59: {  	_ =	shalt  }
0x5a: {  	_ =	shalt  }
0x5b: {  	_ =	shalt  }
0x5c: {  	_ =	shalt  }
0x5d: {  	_ =	shalt  }
0x5e: {  	_ =	shalt  }
0x5f: {  	_ =	shalt  }
0x60: {  	_ =	shalt  }
0x61: {  	_ =	shalt  }
0x62: {  	_ =	shalt  }
0x63: {  	_ =	shalt  }
0x64: {  	_ =	shalt  }
0x65: {  	_ =	shalt  }
0x66: {  	_ =	shalt  }
0x67: {  	_ =	shalt  }
0x68: {  	_ =	shalt  }
0x69: {  	_ =	shalt  }
0x6a: {  	_ =	shalt  }
0x6b: {  	_ =	shalt  }
0x6c: {  	_ =	shalt  }
0x6d: {  	_ =	shalt  }
0x6e: {  	_ =	shalt  }
0x6f: {  	_ =	shalt  }
0x70: {  	_ =	shalt  }
0x71: {  	_ =	shalt  }
0x72: {  	_ =	shalt  }
0x73: {  	_ =	shalt  }
0x74: {  	_ =	shalt  }
0x75: {  	_ =	shalt  }
0x76: {  	_ =	shalt  }
0x77: {  	_ =	shalt  }
0x78: {  	_ =	shalt  }
0x79: {  	_ =	shalt  }
0x7a: {  	_ =	shalt  }
0x7b: {  	_ =	shalt  }
0x7c: {  	_ =	shalt  }
0x7d: {  	_ =	shalt  }
0x7e: {  	_ =	shalt  }
0x7f: {  	_ =	shalt  }
0x80: {  	_ =	shalt  }
0x81: {  	_ =	shalt  }
0x82: {  	_ =	shalt  }
0x83: {  	_ =	shalt  }
0x84: {  	_ =	shalt  }
0x85: {  	_ =	shalt  }
0x86: {  	_ =	shalt  }
0x87: {  	_ =	shalt  }
.Lfunc_end0:
.L_simem_size_0:
called_computation_lowered:
.L_overlay_start_0:
0x88: {  	s2 =	sld [smem:$0x3FD9]  }
0x89: {  	s3 =	sld [smem:$0x3FFE];
	_ =	sdelay $0x1  }
0x8a: {  	s1 =	srdreg.scid  }
0x8b: {  	s0 =	sand.u32 $0x1, s1  }
0x8c: {  	s17 =	sshll.u32 s0, $0xA;
	s2 =	sadd.s32 s3, s2  }
0x8d: {  	s2 =	sadd.s32 s2, s17  }
0x8e: {  	[smem:$0x3FC5] =	sst s2  }
0x8f: {  	_ = 	snop  }
0x90: {  	s2 =	sld [smem:$0x3FC7]  }
0x91: {  	s18 =	sld [smem:$0x3FD0];
	(tm) =	ssettm $0x1  }
0x92: {  	s4 =	sld [smem:$0x3FFB];
	_ =	sdelay $0x3  }
0x93: {  	_ =	strace s4  }
0x94: {  	s4 =	sld [smem:$0x3FFC];
	_ =	sdelay $0x3  }
0x95: {  	_ =	strace s4  }
0x96: {  	s4 =	sld [smem:$0x3FFD];
	_ =	sdelay $0x3  }
0x97: {  	_ =	strace s4  }
0x98: {  	_ =	strace $0x8FFFFFFF  }
0x99: {  	s19 =	sld [smem:$0x3FDB];
	_ =	sdelay $0x1  }
0x9a: {  	s5 =	simm.s32 $_scs_section_size  }
0x9b: {  	s6 =	simm.s32 $_size__tile_overlayer_lowered;
	s7 =	simm.s32 $_tile_overlayer_lowered  }
0x9c: {  	s22 =	simm.s32 $0x1BFF;
	s21 =	sshll.u32 s7, $0x1;
	s4 =	sadd.s32 s5, s19  }
0x9d: {  	s8 =	simm.s32 $0x0;
	s20 =	sshll.u32 s6, $0x1;
	s6 =	sadd.s32 s21, s4  }
0x9e: {  	[timem:s8], [sflag:s22] =	dma.local [hbm:s6], s20  }
0x9f: {  	_ =	swait.ge [sflag:s22], s20  }
0xa0: {  	s5 =	ssub.s32 $0x0, s20;
	[sflag:s22] =	ssyncset.done $0x0  }
0xa1: {  	[sflag:s22] =	ssyncadd.s32 s5;
	_ =	sdelay $0x1  }
0xa2: {  	s23 =	simm.s32 $0x1B8B  }
0xa3: {  	_ =	swait.ge [sflag:s23], $0x1  }
0xa4: {  	[sflag:s23] =	ssyncset.done $0x0  }
0xa5: {  	s25 =	simm.s32 $0x1B8E;
	s24 =	sld [smem:$0x3FFE];
	[sflag:s23] =	ssyncadd.s32 $0xFFFFFFFF  }
0xa6: {  	s26 =	simm.s32 $execute0_lowered;
	[smem:$0x3FD2] =	sst s25  }
0xa7: {  	s6 =	sshll.u32 s26, $0x1;
	_ =	strace $0x80000046;
	[dreg:$0x1] =	wrdreg $0xFFFFFFFF  }
0xa8: {  	s28 =	simm.s32 $_size_execute0_lowered;
	s4 =	sadd.s32 s4, s6;
	[dreg:$0x0] =	wrdreg $0x0  }
0xa9: {  	s6 =	sshll.u32 s28, $0x1;
	[dreg:$0x2] =	wrdreg s4  }
0xaa: {  	[dreg:$0x3] =	wrdreg s6  }
0xab: {  	[dreg:$0x4] =	wrdreg $0xC0  }
0xac: {  	_ =	task [dreg:s8], $0x5FFFF  }
0xad: {  	[dreg:$0x1] =	wrdreg $0xFFFFFFFF  }
0xae: {  	[dreg:$0x0] =	wrdreg $0x60  }
0xaf: {  	[dreg:$0x2] =	wrdreg s24  }
0xb0: {  	[dreg:$0x3] =	wrdreg s2  }
0xb1: {  	[dreg:$0x4] =	wrdreg s18  }
0xb2: {  	[dreg:$0x5] =	wrdreg $0x9  }
0xb3: {  	_ =	task.clear_ibuf [dreg:s8], $0x6FFFF;
	_ =	strace $0x90000046  }
0xb4: {  	s29 =	simm.s32 $0x9;
	_ =	strace $0x80000048  }
0xb5: {  	_ =	swait.ge [sflag:s29], $0x1  }
0xb6: {  	[sflag:s29] =	ssyncadd.s32 $0xFFFFFFFF  }
0xb7: {  	_ =	strace $0x90000048  }
0xb8: {  	_ =	sfence  }
0xb9: {  	s30 =	sld [smem:$0x0];
	_ =	sdelay $0x2  }
0xba: {  	s31 =	sshll.u32 s1, $0xD;
	s1 =	sshrl.u32 s1, $0x2  }
0xbb: {  	s3 =	sand.u32 $0x4000, s31;
	s1 =	sadd.s32 s1, s30  }
0xbc: {  	s0 =	sor.u32 s3, s0;
	s1 =	sshll.u32 s1, $0x11  }
0xbd: {  	s0 =	sor.u32 s1, s0  }
0xbe: {  	s0 =	sadd.s32 $0x8F2B, s0  }
0xbf: {  	[sflag:s0] =	ssyncadd.remote.s32 $0x1  }
0xc0: {  	_ =	sfence.sel $0xFFFF  }
0xc1: {  	[dreg:$0x0] =	wrdreg $0xFFFFFFFF;
	(pc) =	sbr.abs _section_cstart, $3  }
0xc2: {  	[dreg:$0x1] =	wrdreg $0xFFFFFFFF  }
0xc3: {  	_ =	task.clear_ibuf [dreg:s8], $0x2FFFF;
	_ =	strace $0x9FFFFFFF  }
0xc4: {  	(tm) =	ssettm $0x7FFFFFFF  }
0xc5: {  	_ =	shalt  }
tec
execute0_lowered:
.L_overlay_start_1:
0x0: {  	(tag) =	ssettag $0x1  }
0x1: {  	s0 =	rddreg [dreg:$0x0];
	s1 =	srdreg.scid  }
0x2: {  	s9 =	stileid.u32;
	s2 =	rddreg [dreg:$0x1]  }
0x3: {  	s4 =	rddreg [dreg:$0x2];
	s16 =	simm.s32 $0x40;
	s29 =	simm.s32 $0xF200  }
0x4: {  	s31 =	simm.s32 $0x11200;
	s28 =	simm.s32 $0x7;
	s30 =	simm.s32 $0x8  }
0x5: {  	s10 =	simm.s32 $0xE;
	s1 =	sand.u32 $0x1, s1;
	s3 =	sshll.u32 s9, $0x1  }
0x6: {  	s11 =	simm.s32 $0xF;
	s18 =	smul.u32 $0x64000, s9;
	s5 =	sor.u32 s1, s3  }
0x7: {  	s12 =	simm.s32 $0x10;
	s13 =	simm.s32 $0x0;
	s6 =	smul.u32 $0x3200, s5  }
0x8: {  	s9 =	simm.s32 $0xD;
	s7 =	ssub.s32 $0x2, s1;
	s5 =	smul.u32 $0x32000, s5  }
0x9: {  	s3 =	simm.s32 $0x0;
	s1 =	smul.u32 $0x32000, s1;
	s8 =	sshrl.u32 s7, $0x1  }
0xa: {  	[smem:$0x7FF] =	sst s3;
	s17 =	ssub.s32 s7, s8;
	s5 =	sadd.s32 s4, s5  }
0xb: {  	_ =	strace $0x80000047;
	s26 =	smax.u32 s17, $0x1;
	[dreg:$0x5] =	wrdreg s5  }
0xc: {  	s7 =	simm.s32 $0xB;
	s19 =	sadd.s32 $0x400, s5;
	[dreg:$0xd] =	wrdreg s26  }
0xd: {  	s8 =	simm.s32 $0xC;
	s20 =	sadd.s32 $0x800, s5;
	[dreg:$0x6] =	wrdreg s19  }
0xe: {  	s6 =	sshrl.u32 s6, $0x3;
	s21 =	sadd.s32 $0xC00, s5;
	[dreg:$0x7] =	wrdreg s20  }
0xf: {  	s17 =	simm.s32 $0x3200;
	s22 =	sadd.s32 $0x1000, s5;
	[dreg:$0x8] =	wrdreg s21  }
0x10: {  	s0 =	sadd.s32 s6, s0;
	s23 =	sadd.s32 $0x1400, s5;
	[dreg:$0x9] =	wrdreg s22  }
0x11: {  	s24 =	sadd.s32 $0x1800, s5;
	s25 =	sadd.s32 $0x1C00, s5;
	[dreg:$0xa] =	wrdreg s23  }
0x12: {  	s26 =	simm.s32 $0xD200;
	s6 =	simm.s32 $0xA;
	[dreg:$0xb] =	wrdreg s24  }
0x13: {  	s0 =	sadd.s32 $0x400, s0;
	[dreg:$0xc] =	wrdreg s25;
	s20 =	simm.s32 $0x7200  }
0x14: {  	s22 =	simm.s32 $0x9200;
	s24 =	simm.s32 $0xB200;
	s19 =	simm.s32 $0x3  }
0x15: {  	s21 =	simm.s32 $0x4;
	[dreg:$0x4] =	wrdreg s0;
	s0 =	sadd.s32 s18, s4  }
0x16: {  	s23 =	simm.s32 $0x5;
	s25 =	simm.s32 $0x6;
	s0 =	sadd.s32 s1, s0  }
0x17: {  	s18 =	simm.s32 $0x5200;
	s4 =	simm.s32 $0x9;
	s0 =	sadd.s32 $0x2000, s0  }
0x18: {  	s1 =	simm.s32 $0x1;
	[dreg:$0xe] =	wrdreg s0;
	s0 =	simm.s32 $0x2  }
.LBB2_1:
0x19: {  	[dreg:$0xf] =	wrdreg s13  }
0x1a: {  	s5 =	rddreg [dreg:$0x4];
	s14 =	simm.s32 $0x11  }
0x1b: {  	[tilespmem:s3], [sflag:$0x11] =	stream.linear.gather [hbm4b:s5+s3], $0x3200, $0x38;
	[tilespmem:$0x13200] =	vst v63  }
0x1c: {  	_ =	swait.ge [sflag:s14], $0x3200  }
0x1d: {  	[sflag:s14] =	ssyncset.done $0x0  }
0x1e: {  	[sflag:s14] =	ssyncadd.s32 $0xFFFFCE00  }
0x1f: {  	[tilespmem:s17], [sflag:$0x1] =	stream.indirect.gather [hbm4b:s2+s16], $0x80, s3, s16, $0xb8;
	[tilespmem:$0x13200] =	vst v63  }
0x20: {  	_ = 	snop  }
0x21: {  	[tilespmem:s18], [sflag:$0x2] =	stream.indirect.gather [hbm4b:s2+s16], $0x80, s16, s16, $0xb8;
	[tilespmem:$0x13200] =	vst v63  }
0x22: {  	s15 =	simm.s32 $0x80  }
0x23: {  	[tilespmem:s20], [sflag:$0x3] =	stream.indirect.gather [hbm4b:s2+s16], $0x80, s15, s16, $0xb8;
	[tilespmem:$0x13200] =	vst v63  }
0x24: {  	s13 =	simm.s32 $0xC0  }
0x25: {  	[tilespmem:s22], [sflag:$0x4] =	stream.indirect.gather [hbm4b:s2+s16], $0x80, s13, s16, $0xb8;
	[tilespmem:$0x13200] =	vst v63  }
0x26: {  	s14 =	simm.s32 $0x100  }
0x27: {  	[tilespmem:s24], [sflag:$0x5] =	stream.indirect.gather [hbm4b:s2+s16], $0x80, s14, s16, $0xb8;
	[tilespmem:$0x13200] =	vst v63  }
0x28: {  	s15 =	simm.s32 $0x140  }
0x29: {  	[tilespmem:s26], [sflag:$0x6] =	stream.indirect.gather [hbm4b:s2+s16], $0x80, s15, s16, $0xb8;
	[tilespmem:$0x13200] =	vst v63  }
0x2a: {  	s13 =	simm.s32 $0x180  }
0x2b: {  	[tilespmem:s29], [sflag:$0x7] =	stream.indirect.gather [hbm4b:s2+s16], $0x80, s13, s16, $0xb8;
	[tilespmem:$0x13200] =	vst v63  }
0x2c: {  	s14 =	simm.s32 $0x1C0  }
0x2d: {  	[tilespmem:s31], [sflag:$0x8] =	stream.indirect.gather [hbm4b:s2+s16], $0x80, s14, s16, $0xb8;
	[tilespmem:$0x13200] =	vst v63  }
0x2e: {  	_ =	swait.ge [sflag:s1], $0x2000  }
0x2f: {  	[sflag:s1] =	ssyncset.done $0x0  }
0x30: {  	s15 =	rddreg [dreg:$0x5];
	[sflag:s1] =	ssyncadd.s32 $0xFFFFE000  }
0x31: {  	[hbm4b:s15+s3] =	stream.linear.scatter [tilespmem:s17], [sflag:$0x9], $0x2000, $0x38;
	[tilespmem:$0x13200] =	vst v63  }
0x32: {  	_ =	swait.ge [sflag:s0], $0x2000  }
0x33: {  	[sflag:s0] =	ssyncset.done $0x0  }
0x34: {  	s13 =	rddreg [dreg:$0x6];
	[sflag:s0] =	ssyncadd.s32 $0xFFFFE000  }
0x35: {  	[hbm4b:s13+s3] =	stream.linear.scatter [tilespmem:s18], [sflag:$0xA], $0x2000, $0x38;
	[tilespmem:$0x13200] =	vst v63  }
0x36: {  	_ =	swait.ge [sflag:s19], $0x2000  }
0x37: {  	[sflag:s19] =	ssyncset.done $0x0  }
0x38: {  	s14 =	rddreg [dreg:$0x7];
	[sflag:s19] =	ssyncadd.s32 $0xFFFFE000  }
0x39: {  	[hbm4b:s14+s3] =	stream.linear.scatter [tilespmem:s20], [sflag:$0xB], $0x2000, $0x38;
	[tilespmem:$0x13200] =	vst v63  }
0x3a: {  	_ =	swait.ge [sflag:s21], $0x2000  }
0x3b: {  	[sflag:s21] =	ssyncset.done $0x0  }
0x3c: {  	s15 =	rddreg [dreg:$0x8];
	[sflag:s21] =	ssyncadd.s32 $0xFFFFE000  }
0x3d: {  	[hbm4b:s15+s3] =	stream.linear.scatter [tilespmem:s22], [sflag:$0xC], $0x2000, $0x38;
	[tilespmem:$0x13200] =	vst v63  }
0x3e: {  	_ =	swait.ge [sflag:s23], $0x2000  }
0x3f: {  	[sflag:s23] =	ssyncset.done $0x0  }
0x40: {  	s13 =	rddreg [dreg:$0x9];
	[sflag:s23] =	ssyncadd.s32 $0xFFFFE000  }
0x41: {  	[hbm4b:s13+s3] =	stream.linear.scatter [tilespmem:s24], [sflag:$0xD], $0x2000, $0x38;
	[tilespmem:$0x13200] =	vst v63  }
0x42: {  	_ =	swait.ge [sflag:s25], $0x2000  }
0x43: {  	[sflag:s25] =	ssyncset.done $0x0  }
0x44: {  	s14 =	rddreg [dreg:$0xa];
	[sflag:s25] =	ssyncadd.s32 $0xFFFFE000  }
0x45: {  	[hbm4b:s14+s3] =	stream.linear.scatter [tilespmem:s26], [sflag:$0xE], $0x2000, $0x38;
	[tilespmem:$0x13200] =	vst v63  }
0x46: {  	_ =	swait.ge [sflag:s28], $0x2000  }
0x47: {  	[sflag:s28] =	ssyncset.done $0x0  }
0x48: {  	s15 =	rddreg [dreg:$0xb];
	[sflag:s28] =	ssyncadd.s32 $0xFFFFE000  }
0x49: {  	[hbm4b:s15+s3] =	stream.linear.scatter [tilespmem:s29], [sflag:$0xF], $0x2000, $0x38;
	[tilespmem:$0x13200] =	vst v63  }
0x4a: {  	_ =	swait.ge [sflag:s30], $0x2000  }
0x4b: {  	[sflag:s30] =	ssyncset.done $0x0  }
0x4c: {  	s13 =	rddreg [dreg:$0xc];
	[sflag:s30] =	ssyncadd.s32 $0xFFFFE000  }
0x4d: {  	[hbm4b:s13+s3] =	stream.linear.scatter [tilespmem:s31], [sflag:$0x10], $0x2000, $0x38;
	[tilespmem:$0x13200] =	vst v63  }
0x4e: {  	_ =	swait.ge [sflag:s4], $0x2000  }
0x4f: {  	[sflag:s4] =	ssyncset.done $0x0  }
0x50: {  	s14 =	simm.s32 $0x200;
	[sflag:s4] =	ssyncadd.s32 $0xFFFFE000  }
0x51: {  	[tilespmem:s17], [sflag:$0x1] =	stream.indirect.gather [hbm4b:s2+s16], $0x80, s14, s16, $0xb8;
	[tilespmem:$0x13200] =	vst v63  }
0x52: {  	_ =	swait.ge [sflag:s6], $0x2000  }
0x53: {  	[sflag:s6] =	ssyncset.done $0x0  }
0x54: {  	s15 =	simm.s32 $0x240;
	[sflag:s6] =	ssyncadd.s32 $0xFFFFE000  }
0x55: {  	[tilespmem:s18], [sflag:$0x2] =	stream.indirect.gather [hbm4b:s2+s16], $0x80, s15, s16, $0xb8;
	[tilespmem:$0x13200] =	vst v63  }
0x56: {  	_ =	swait.ge [sflag:s7], $0x2000  }
0x57: {  	[sflag:s7] =	ssyncset.done $0x0  }
0x58: {  	s13 =	simm.s32 $0x280;
	[sflag:s7] =	ssyncadd.s32 $0xFFFFE000  }
0x59: {  	[tilespmem:s20], [sflag:$0x3] =	stream.indirect.gather [hbm4b:s2+s16], $0x80, s13, s16, $0xb8;
	[tilespmem:$0x13200] =	vst v63  }
0x5a: {  	_ =	swait.ge [sflag:s8], $0x2000  }
0x5b: {  	[sflag:s8] =	ssyncset.done $0x0  }
0x5c: {  	s14 =	simm.s32 $0x2C0;
	[sflag:s8] =	ssyncadd.s32 $0xFFFFE000  }
0x5d: {  	[tilespmem:s22], [sflag:$0x4] =	stream.indirect.gather [hbm4b:s2+s16], $0x80, s14, s16, $0xb8;
	[tilespmem:$0x13200] =	vst v63  }
0x5e: {  	_ =	swait.ge [sflag:s9], $0x2000  }
0x5f: {  	[sflag:s9] =	ssyncset.done $0x0  }
0x60: {  	s15 =	simm.s32 $0x300;
	[sflag:s9] =	ssyncadd.s32 $0xFFFFE000  }
0x61: {  	[tilespmem:s24], [sflag:$0x5] =	stream.indirect.gather [hbm4b:s2+s16], $0x80, s15, s16, $0xb8;
	[tilespmem:$0x13200] =	vst v63  }
0x62: {  	_ =	swait.ge [sflag:s10], $0x2000  }
0x63: {  	[sflag:s10] =	ssyncset.done $0x0  }
0x64: {  	s13 =	simm.s32 $0x340;
	[sflag:s10] =	ssyncadd.s32 $0xFFFFE000  }
0x65: {  	[tilespmem:s26], [sflag:$0x6] =	stream.indirect.gather [hbm4b:s2+s16], $0x80, s13, s16, $0xb8;
	[tilespmem:$0x13200] =	vst v63  }
0x66: {  	_ =	swait.ge [sflag:s11], $0x2000  }
0x67: {  	[sflag:s11] =	ssyncset.done $0x0  }
0x68: {  	s14 =	simm.s32 $0x380;
	[sflag:s11] =	ssyncadd.s32 $0xFFFFE000  }
0x69: {  	[tilespmem:s29], [sflag:$0x7] =	stream.indirect.gather [hbm4b:s2+s16], $0x80, s14, s16, $0xb8;
	[tilespmem:$0x13200] =	vst v63  }
0x6a: {  	_ =	swait.ge [sflag:s12], $0x2000  }
0x6b: {  	[sflag:s12] =	ssyncset.done $0x0  }
0x6c: {  	s15 =	simm.s32 $0x3C0;
	[sflag:s12] =	ssyncadd.s32 $0xFFFFE000  }
0x6d: {  	[tilespmem:s31], [sflag:$0x8] =	stream.indirect.gather [hbm4b:s2+s16], $0x80, s15, s16, $0xb8;
	[tilespmem:$0x13200] =	vst v63  }
0x6e: {  	_ =	swait.ge [sflag:s1], $0x2000  }
0x6f: {  	[sflag:s1] =	ssyncset.done $0x0  }
0x70: {  	s14 =	rddreg [dreg:$0xe];
	[sflag:s1] =	ssyncadd.s32 $0xFFFFE000  }
0x71: {  	[hbm4b:s14+s3] =	stream.linear.scatter [tilespmem:s17], [sflag:$0x9], $0x2000, $0x38;
	[tilespmem:$0x13200] =	vst v63  }
0x72: {  	_ =	swait.ge [sflag:s0], $0x2000  }
0x73: {  	[sflag:s0] =	ssyncset.done $0x0  }
0x74: {  	s13 =	sadd.s32 $0x400, s14;
	[sflag:s0] =	ssyncadd.s32 $0xFFFFE000  }
0x75: {  	[hbm4b:s13+s3] =	stream.linear.scatter [tilespmem:s18], [sflag:$0xA], $0x2000, $0x38;
	[tilespmem:$0x13200] =	vst v63  }
0x76: {  	_ =	swait.ge [sflag:s19], $0x2000  }
0x77: {  	[sflag:s19] =	ssyncset.done $0x0  }
0x78: {  	s15 =	sadd.s32 $0x800, s14;
	[sflag:s19] =	ssyncadd.s32 $0xFFFFE000  }
0x79: {  	[hbm4b:s15+s3] =	stream.linear.scatter [tilespmem:s20], [sflag:$0xB], $0x2000, $0x38;
	[tilespmem:$0x13200] =	vst v63  }
0x7a: {  	_ =	swait.ge [sflag:s21], $0x2000  }
0x7b: {  	[sflag:s21] =	ssyncset.done $0x0  }
0x7c: {  	s13 =	sadd.s32 $0xC00, s14;
	[sflag:s21] =	ssyncadd.s32 $0xFFFFE000  }
0x7d: {  	[hbm4b:s13+s3] =	stream.linear.scatter [tilespmem:s22], [sflag:$0xC], $0x2000, $0x38;
	[tilespmem:$0x13200] =	vst v63  }
0x7e: {  	_ =	swait.ge [sflag:s23], $0x2000  }
0x7f: {  	[sflag:s23] =	ssyncset.done $0x0  }
0x80: {  	s15 =	sadd.s32 $0x1000, s14;
	[sflag:s23] =	ssyncadd.s32 $0xFFFFE000  }
0x81: {  	[hbm4b:s15+s3] =	stream.linear.scatter [tilespmem:s24], [sflag:$0xD], $0x2000, $0x38;
	[tilespmem:$0x13200] =	vst v63  }
0x82: {  	_ =	swait.ge [sflag:s25], $0x2000  }
0x83: {  	[sflag:s25] =	ssyncset.done $0x0  }
0x84: {  	s13 =	sadd.s32 $0x1400, s14;
	[sflag:s25] =	ssyncadd.s32 $0xFFFFE000  }
0x85: {  	[hbm4b:s13+s3] =	stream.linear.scatter [tilespmem:s26], [sflag:$0xE], $0x2000, $0x38;
	[tilespmem:$0x13200] =	vst v63  }
0x86: {  	_ =	swait.ge [sflag:s28], $0x2000  }
0x87: {  	[sflag:s28] =	ssyncset.done $0x0  }
0x88: {  	s15 =	sadd.s32 $0x1800, s14;
	[sflag:s28] =	ssyncadd.s32 $0xFFFFE000  }
0x89: {  	[hbm4b:s15+s3] =	stream.linear.scatter [tilespmem:s29], [sflag:$0xF], $0x2000, $0x38;
	[tilespmem:$0x13200] =	vst v63  }
0x8a: {  	_ =	swait.ge [sflag:s30], $0x2000  }
0x8b: {  	s5 =	simm.s32 $0x800;
	[sflag:s30] =	ssyncset.done $0x0  }
0x8c: {  	s13 =	sadd.s32 $0x1C00, s14;
	s15 =	sadd.s32 $0x2000, s14;
	[sflag:s30] =	ssyncadd.s32 $0xFFFFE000  }
.LBB2_2:
0x8d: {  	[hbm4b:s13+s3] =	stream.linear.scatter [tilespmem:s31], [sflag:$0x10], $0x2000, $0x38;
	[tilespmem:$0x13200] =	vst v63  }
0x8e: {  	s13 =	smov.u32 s5  }
0x8f: {  	p0 =	sne.s32 s5, $0xB800;
	s5 =	sadd.s32 $0x800, s5;
	_ =	swait.ge [sflag:s4], $0x2000  }
0x90: {  	s13 =	sshra.s32 s13, $0x2;
	[sflag:s4] =	ssyncset.done $0x0  }
0x91: {  	s14 =	sadd.s32 $0x200, s13;
	[sflag:s4] =	ssyncadd.s32 $0xFFFFE000  }
0x92: {  	[tilespmem:s17], [sflag:$0x1] =	stream.indirect.gather [hbm4b:s2+s16], $0x80, s14, s16, $0xb8;
	[tilespmem:$0x13200] =	vst v63  }
0x93: {  	_ =	swait.ge [sflag:s6], $0x2000  }
0x94: {  	[sflag:s6] =	ssyncset.done $0x0  }
0x95: {  	s14 =	sadd.s32 $0x240, s13;
	[sflag:s6] =	ssyncadd.s32 $0xFFFFE000  }
0x96: {  	[tilespmem:s18], [sflag:$0x2] =	stream.indirect.gather [hbm4b:s2+s16], $0x80, s14, s16, $0xb8;
	[tilespmem:$0x13200] =	vst v63  }
0x97: {  	_ =	swait.ge [sflag:s7], $0x2000  }
0x98: {  	[sflag:s7] =	ssyncset.done $0x0  }
0x99: {  	s14 =	sadd.s32 $0x280, s13;
	[sflag:s7] =	ssyncadd.s32 $0xFFFFE000  }
0x9a: {  	[tilespmem:s20], [sflag:$0x3] =	stream.indirect.gather [hbm4b:s2+s16], $0x80, s14, s16, $0xb8;
	[tilespmem:$0x13200] =	vst v63  }
0x9b: {  	_ =	swait.ge [sflag:s8], $0x2000  }
0x9c: {  	[sflag:s8] =	ssyncset.done $0x0  }
0x9d: {  	s14 =	sadd.s32 $0x2C0, s13;
	[sflag:s8] =	ssyncadd.s32 $0xFFFFE000  }
0x9e: {  	[tilespmem:s22], [sflag:$0x4] =	stream.indirect.gather [hbm4b:s2+s16], $0x80, s14, s16, $0xb8;
	[tilespmem:$0x13200] =	vst v63  }
0x9f: {  	_ =	swait.ge [sflag:s9], $0x2000  }
0xa0: {  	[sflag:s9] =	ssyncset.done $0x0  }
0xa1: {  	s14 =	sadd.s32 $0x300, s13;
	[sflag:s9] =	ssyncadd.s32 $0xFFFFE000  }
0xa2: {  	[tilespmem:s24], [sflag:$0x5] =	stream.indirect.gather [hbm4b:s2+s16], $0x80, s14, s16, $0xb8;
	[tilespmem:$0x13200] =	vst v63  }
0xa3: {  	_ =	swait.ge [sflag:s10], $0x2000  }
0xa4: {  	[sflag:s10] =	ssyncset.done $0x0  }
0xa5: {  	s14 =	sadd.s32 $0x340, s13;
	[sflag:s10] =	ssyncadd.s32 $0xFFFFE000  }
0xa6: {  	[tilespmem:s26], [sflag:$0x6] =	stream.indirect.gather [hbm4b:s2+s16], $0x80, s14, s16, $0xb8;
	[tilespmem:$0x13200] =	vst v63  }
0xa7: {  	_ =	swait.ge [sflag:s11], $0x2000  }
0xa8: {  	[sflag:s11] =	ssyncset.done $0x0  }
0xa9: {  	s14 =	sadd.s32 $0x380, s13;
	[sflag:s11] =	ssyncadd.s32 $0xFFFFE000  }
0xaa: {  	[tilespmem:s29], [sflag:$0x7] =	stream.indirect.gather [hbm4b:s2+s16], $0x80, s14, s16, $0xb8;
	[tilespmem:$0x13200] =	vst v63  }
0xab: {  	_ =	swait.ge [sflag:s12], $0x2000  }
0xac: {  	[sflag:s12] =	ssyncset.done $0x0  }
0xad: {  	s13 =	sadd.s32 $0x3C0, s13;
	[sflag:s12] =	ssyncadd.s32 $0xFFFFE000  }
0xae: {  	[tilespmem:s31], [sflag:$0x8] =	stream.indirect.gather [hbm4b:s2+s16], $0x80, s13, s16, $0xb8;
	[tilespmem:$0x13200] =	vst v63  }
0xaf: {  	_ =	swait.ge [sflag:s1], $0x2000  }
0xb0: {  	[sflag:s1] =	ssyncset.done $0x0  }
0xb1: {  	[sflag:s1] =	ssyncadd.s32 $0xFFFFE000  }
0xb2: {  	[hbm4b:s15+s3] =	stream.linear.scatter [tilespmem:s17], [sflag:$0x9], $0x2000, $0x38;
	[tilespmem:$0x13200] =	vst v63  }
0xb3: {  	_ =	swait.ge [sflag:s0], $0x2000  }
0xb4: {  	[sflag:s0] =	ssyncset.done $0x0  }
0xb5: {  	s13 =	sadd.s32 $0x400, s15;
	[sflag:s0] =	ssyncadd.s32 $0xFFFFE000  }
0xb6: {  	[hbm4b:s13+s3] =	stream.linear.scatter [tilespmem:s18], [sflag:$0xA], $0x2000, $0x38;
	[tilespmem:$0x13200] =	vst v63  }
0xb7: {  	_ =	swait.ge [sflag:s19], $0x2000  }
0xb8: {  	[sflag:s19] =	ssyncset.done $0x0  }
0xb9: {  	s13 =	sadd.s32 $0x800, s15;
	[sflag:s19] =	ssyncadd.s32 $0xFFFFE000  }
0xba: {  	[hbm4b:s13+s3] =	stream.linear.scatter [tilespmem:s20], [sflag:$0xB], $0x2000, $0x38;
	[tilespmem:$0x13200] =	vst v63  }
0xbb: {  	_ =	swait.ge [sflag:s21], $0x2000  }
0xbc: {  	[sflag:s21] =	ssyncset.done $0x0  }
0xbd: {  	s13 =	sadd.s32 $0xC00, s15;
	[sflag:s21] =	ssyncadd.s32 $0xFFFFE000  }
0xbe: {  	[hbm4b:s13+s3] =	stream.linear.scatter [tilespmem:s22], [sflag:$0xC], $0x2000, $0x38;
	[tilespmem:$0x13200] =	vst v63  }
0xbf: {  	_ =	swait.ge [sflag:s23], $0x2000  }
0xc0: {  	[sflag:s23] =	ssyncset.done $0x0  }
0xc1: {  	s13 =	sadd.s32 $0x1000, s15;
	[sflag:s23] =	ssyncadd.s32 $0xFFFFE000  }
0xc2: {  	[hbm4b:s13+s3] =	stream.linear.scatter [tilespmem:s24], [sflag:$0xD], $0x2000, $0x38;
	[tilespmem:$0x13200] =	vst v63  }
0xc3: {  	_ =	swait.ge [sflag:s25], $0x2000  }
0xc4: {  	[sflag:s25] =	ssyncset.done $0x0  }
0xc5: {  	s13 =	sadd.s32 $0x1400, s15;
	[sflag:s25] =	ssyncadd.s32 $0xFFFFE000  }
0xc6: {  	[hbm4b:s13+s3] =	stream.linear.scatter [tilespmem:s26], [sflag:$0xE], $0x2000, $0x38;
	[tilespmem:$0x13200] =	vst v63  }
0xc7: {  	_ =	swait.ge [sflag:s28], $0x2000  }
0xc8: {  	[sflag:s28] =	ssyncset.done $0x0  }
.Ltmp0:
0xc9: {  	s13 =	sadd.s32 $0x1800, s15;
	[sflag:s28] =	ssyncadd.s32 $0xFFFFE000;
	(pc) =	sbr.rel @p0 .LBB2_2-.Ltmp0, $4  }
0xca: {  	[hbm4b:s13+s3] =	stream.linear.scatter [tilespmem:s29], [sflag:$0xF], $0x2000, $0x38;
	[tilespmem:$0x13200] =	vst v63  }
0xcb: {  	_ =	swait.ge [sflag:s30], $0x2000  }
0xcc: {  	[sflag:s30] =	ssyncset.done $0x0  }
0xcd: {  	s13 =	sadd.s32 $0x1C00, s15;
	s15 =	sadd.s32 $0x2000, s15;
	[sflag:s30] =	ssyncadd.s32 $0xFFFFE000  }
0xce: {  	[hbm4b:s13+s3] =	stream.linear.scatter [tilespmem:s31], [sflag:$0x10], $0x2000, $0x38;
	[tilespmem:$0x13200] =	vst v63  }
0xcf: {  	_ =	swait.ge [sflag:s4], $0x2000  }
0xd0: {  	[sflag:s4] =	ssyncset.done $0x0  }
0xd1: {  	[sflag:s4] =	ssyncadd.s32 $0xFFFFE000  }
0xd2: {  	_ =	swait.ge [sflag:s6], $0x2000  }
0xd3: {  	[sflag:s6] =	ssyncset.done $0x0  }
0xd4: {  	[sflag:s6] =	ssyncadd.s32 $0xFFFFE000  }
0xd5: {  	_ =	swait.ge [sflag:s7], $0x2000  }
0xd6: {  	[sflag:s7] =	ssyncset.done $0x0  }
0xd7: {  	[sflag:s7] =	ssyncadd.s32 $0xFFFFE000  }
0xd8: {  	_ =	swait.ge [sflag:s8], $0x2000  }
0xd9: {  	[sflag:s8] =	ssyncset.done $0x0  }
0xda: {  	[sflag:s8] =	ssyncadd.s32 $0xFFFFE000  }
0xdb: {  	_ =	swait.ge [sflag:s9], $0x2000  }
0xdc: {  	[sflag:s9] =	ssyncset.done $0x0  }
0xdd: {  	[sflag:s9] =	ssyncadd.s32 $0xFFFFE000  }
0xde: {  	_ =	swait.ge [sflag:s10], $0x2000  }
0xdf: {  	[sflag:s10] =	ssyncset.done $0x0  }
0xe0: {  	[sflag:s10] =	ssyncadd.s32 $0xFFFFE000  }
0xe1: {  	_ =	swait.ge [sflag:s11], $0x2000  }
0xe2: {  	[sflag:s11] =	ssyncset.done $0x0  }
0xe3: {  	[sflag:s11] =	ssyncadd.s32 $0xFFFFE000  }
0xe4: {  	_ =	swait.ge [sflag:s12], $0x2000  }
0xe5: {  	s15 =	rddreg [dreg:$0xf]  }
0xe6: {  	s5 =	rddreg [dreg:$0xd];
	s13 =	sadd.s32 $0x1, s15  }
0xe7: {  	p0 =	sne.s32 s13, s5  }
.Ltmp1:
0xe8: {  	_ = 	snop;
	(pc) =	sbr.rel @p0 .LBB2_1-.Ltmp1, $3  }
0xe9: {  	_ =	sdelay $0x1  }
0xea: {  	[sflag:s12] =	ssyncset.done $0x0  }
0xeb: {  	[sflag:s12] =	ssyncadd.s32 $0xFFFFE000  }
0xec: {  	_ =	sfence.sel $0x180000  }
0xed: {  	[bflag:$0x0] =	sbarrier.arrive $0xFFFF  }
0xee: {  	_ =	strace $0x90000047  }
0xef: {  	s0 =	stileid.u32;
	[bflag:$0x2] =	sbarrier.arrive $0xFFFF  }
0xf0: {  	p0 =	sne.s32 s0, $0x0;
	s0 =	rddreg [dreg:$0x3]  }
0xf1: {  	s0 =	sadd.s32 @!p0 $0x100000, s0  }
0xf2: {  	[sflag:s0] =	ssyncadd.tile.s32 @!p0 $0x1;
	_ =	shalt  }
.Lfunc_end2:
_tile_overlayer_lowered:
.L_overlay_start_2:
0xf3: {  	(tag) =	ssettag $0x2  }
0xf4: {  	s0 =	rddreg [dreg:$0x0];
	s2 =	stileid.u32  }
0xf5: {  	s1 =	rddreg [dreg:$0x1];
	p0 =	sne.s32 s2, $0x0  }
0xf6: {  	s3 =	rddreg [dreg:$0x2];
	[bflag:$0x3] =	sbarrier.arrive $0xFFFF;
	s2 =	simm.s32 @!p0 $0x1C11  }
0xf7: {  	[timem:s3], [sflag:s2] =	dma.local @!p0 [hbm:s0], s1  }
0xf8: {  	s0 =	simm.s32 @!p0 $0x11  }
0xf9: {  	_ =	swait.ge @!p0 [sflag:s0], s1  }
0xfa: {  	s1 =	ssub.s32 @!p0 $0x0, s1;
	[sflag:s0] =	ssyncset.done @!p0 $0x0  }
0xfb: {  	[sflag:s0] =	ssyncadd.s32 @!p0 s1  }
0xfc: {  	[bflag:$0x3] =	sbarrier.arrive $0xFFFF  }
0xfd: {  	_ =	shalt  }

</sc_bundles>
